<compile_context>
chip_gen: v7x
topology: tpu7x:2x2x1
jax: 0.10.2.dev20260603
libtpu: 0.0.44.dev20260713+nightly
codegen_flags: <defaults>
</compile_context>

<pallas_src>
import functools

import jax
import jax.numpy as jnp
from jax import lax
from jax.experimental import pallas as pl
from jax.experimental.pallas import tpu as pltpu
from jax.experimental.pallas import tpu_sc as plsc

_ROWS, _COLS = 128, 32768
_TOTAL = _ROWS * _COLS
_NC, _NS, _L = 2, 16, 16
_NW = _NC * _NS
_SC_ROWS = 64
_TC_ROWS = _ROWS - _SC_ROWS
_PER_W = _SC_ROWS * _COLS // _NW
_CHUNK = 16384
_NCHUNK = _PER_W // _CHUNK
_U = 8
_TCB = 8

_mesh = plsc.VectorSubcoreMesh(
    core_axis_name="c", subcore_axis_name="s", num_cores=_NC, num_subcores=_NS
)


@functools.partial(
    pl.kernel,
    out_type=jax.ShapeDtypeStruct((_NW, 3 * _L), jnp.float32),
    mesh=_mesh,
    scratch_types=[
        pltpu.VMEM((3 * _CHUNK,), jnp.float32),
        pltpu.VMEM((3 * _CHUNK,), jnp.int32),
        pltpu.VMEM((3 * _L,), jnp.float32),
        pltpu.SemaphoreType.DMA,
        pltpu.SemaphoreType.DMA,
        pltpu.SemaphoreType.DMA,
    ],
)
def _partial_sums(x_hbm, lbl_hbm, out_hbm, xb, lb, accv, sem0, sem1, sem2):
    wid = lax.axis_index("s") * _NC + lax.axis_index("c")
    rows_per_w = _SC_ROWS // _NW
    chunks_per_row = _COLS // _CHUNK
    row0 = wid * rows_per_w
    sems = (sem0, sem1, sem2)
    hx = [None, None]
    hl = [None, None]

    def start(i):
        b = i % 3
        row = row0 + i // chunks_per_row
        col = (i % chunks_per_row) * _CHUNK
        hx[b] = pltpu.async_copy(
            x_hbm.at[row, pl.ds(col, _CHUNK)], xb.at[pl.ds(b * _CHUNK, _CHUNK)], sems[b]
        )
        hl[b] = pltpu.async_copy(
            lbl_hbm.at[row, pl.ds(col, _CHUNK)], lb.at[pl.ds(b * _CHUNK, _CHUNK)], sems[b]
        )

    _P = _L * _U

    def accumulate(xv, lv, accs, next_chunks):
        nxt = []
        for nc in next_chunks:
            nxt.append(
                (nc % 3, row0 + nc // chunks_per_row, (nc % chunks_per_row) * _CHUNK)
            )

        @plsc.parallel_loop(0, _CHUNK, step=_P, carry=accs)
        def accs(i, accs):
            for nb, nrow, ncol in nxt:
                pltpu.async_copy(
                    x_hbm.at[nrow, pl.ds(ncol + i, _P)],
                    xb.at[pl.ds(nb * _CHUNK + i, _P)],
                    sems[nb],
                )
                pltpu.async_copy(
                    lbl_hbm.at[nrow, pl.ds(ncol + i, _P)],
                    lb.at[pl.ds(nb * _CHUNK + i, _P)],
                    sems[nb],
                )
            accs = list(accs)
            for u in range(_U):
                a, p, c = accs[3 * (u % 2) : 3 * (u % 2) + 3]
                sl = pl.ds(i + u * _L, _L)
                lbl = lv[sl]
                sig = 1.0 / (1.0 + jnp.exp(xv[sl] * -1.0))
                accs[3 * (u % 2) : 3 * (u % 2) + 3] = [
                    a + sig,
                    p + jnp.where(lbl != 0, sig, 0.0),
                    c + lbl,
                ]
            return tuple(accs)

        return accs

    def drain(b):
        pltpu.make_async_copy(x_hbm.at[row0, pl.ds(0, _CHUNK)], xb.at[pl.ds(b * _CHUNK, _CHUNK)], sems[b]).wait()
        pltpu.make_async_copy(lbl_hbm.at[row0, pl.ds(0, _CHUNK)], lb.at[pl.ds(b * _CHUNK, _CHUNK)], sems[b]).wait()

    start(0)
    start(1)
    zf = jnp.zeros((_L,), jnp.float32)
    zi = jnp.zeros((_L,), jnp.int32)
    accs = (zf, zf, zi, zf, zf, zi)
    for i in range(_NCHUNK):
        b = i % 3
        if i < 2:
            hx[i].wait()
            hl[i].wait()
        else:
            drain(b)
        nxt = [i + 2] if i + 2 < _NCHUNK else []
        accs = accumulate(xb.at[pl.ds(b * _CHUNK, _CHUNK)], lb.at[pl.ds(b * _CHUNK, _CHUNK)], accs, nxt)

    accv[pl.ds(0, _L)] = accs[0] + accs[3]
    accv[pl.ds(_L, _L)] = accs[1] + accs[4]
    accv[pl.ds(2 * _L, _L)] = (accs[2] + accs[5]).astype(jnp.float32)
    pltpu.sync_copy(accv, out_hbm.at[wid])


def _tc_partial_body(x_ref, l_ref, o_ref):
    x = x_ref[...]
    lf = l_ref[...].astype(jnp.float32)
    sig = 1.0 / (1.0 + jnp.exp(-x))
    sa = jnp.sum(sig.reshape(_TCB, _COLS // 128, 128), axis=1)
    sp = jnp.sum((sig * lf).reshape(_TCB, _COLS // 128, 128), axis=1)
    cn = jnp.sum(lf.reshape(_TCB, _COLS // 128, 128), axis=1)
    part = jnp.stack([sa, sp, cn])

    @pl.when(pl.program_id(0) == 0)
    def _():
        o_ref[...] = part

    @pl.when(pl.program_id(0) != 0)
    def _():
        o_ref[...] += part


_tc_partial = pl.pallas_call(
    _tc_partial_body,
    grid=(_TC_ROWS // _TCB,),
    in_specs=[
        pl.BlockSpec((_TCB, _COLS), lambda i: (i + _SC_ROWS // _TCB, 0)),
        pl.BlockSpec((_TCB, _COLS), lambda i: (i + _SC_ROWS // _TCB, 0)),
    ],
    out_specs=pl.BlockSpec((3, _TCB, 128), lambda i: (0, 0, 0)),
    out_shape=jax.ShapeDtypeStruct((3, _TCB, 128), jnp.float32),
)


def _finalize_body(p_ref, t_ref, o_ref):
    p = p_ref[...]
    t = t_ref[...]
    s_all = jnp.sum(p[:, 0:_L]) + jnp.sum(t[0])
    s_pos = jnp.sum(p[:, _L : 2 * _L]) + jnp.sum(t[1])
    k_pos = jnp.sum(p[:, 2 * _L : 3 * _L]) + jnp.sum(t[2])
    k_neg = _TOTAL - k_pos
    diff = (s_all - s_pos) / k_neg - s_pos / k_pos
    o_ref[...] = jnp.maximum(diff, 0.0)[None, None]


_finalize = pl.pallas_call(
    _finalize_body,
    out_shape=jax.ShapeDtypeStruct((1, 1), jnp.float32),
)


@jax.jit
def kernel(outputs, labels):
    partials = _partial_sums(outputs, labels)
    tc_partials = _tc_partial(outputs, labels)
    return _finalize(partials, tc_partials)[0, 0]

# --- scband reference (transcript-rebuilt; emitter-appended) ---
"""Pipeline reference for scband-bcewith-threshold-loss-52398601011809 (READ-ONLY COPY).

The authoritative reference and input builder live on the scoring server;
editing this copy changes nothing except your own understanding.
"""

import jax, jax.numpy as jnp
import numpy as np


def setup_inputs(seed: int = 0) -> dict:
    key = jax.random.key(seed)
    k1, k2 = jax.random.split(key)
    outputs = jax.random.normal(k1, (128, 32768), dtype=jnp.float32)
    labels = jax.random.randint(k2, (128, 32768), 0, 2, dtype=jnp.int32)
    return {"outputs": outputs, "labels": labels}


def reference(outputs, labels):
    labels_f = labels.astype(outputs.dtype)
    out = jax.nn.sigmoid(outputs)
    total = labels.size
    k_pos = jnp.sum(labels)
    k_neg = total - k_pos
    idx = jnp.arange(total)
    # negatives: top-k of sigmoid outputs where label == 0 (nonzero after masking)
    flattened_neg = ((1.0 - labels_f) * out).ravel()
    neg_sorted, _ = jax.lax.top_k(flattened_neg, total)
    neg_vals = jnp.where(idx < k_neg, neg_sorted, 0.0)
    neg_top_k_mean = jnp.sum(neg_vals) / k_neg.astype(out.dtype)
    # positives: bottom-k of sigmoid outputs where label == 1
    flattened_pos = (labels_f * out).ravel()
    neg_pos_sorted, _ = jax.lax.top_k(-flattened_pos, total)
    neg_pos_vals = jnp.where(idx >= total - k_pos, neg_pos_sorted, 0.0)
    pos_bottom_k_mean = -(jnp.sum(neg_pos_vals) / k_pos.astype(out.dtype))
    loss = jax.nn.relu(neg_top_k_mean - pos_bottom_k_mean)
    return loss

if __name__ == "__main__":
    import jax
    _d = setup_inputs()
    print(jax.jit(kernel)(*tuple(_d.values())))

</pallas_src>

<mosaic_0001>
#map = affine_map<(d0, d1) -> (0, 0)>
module attributes {stable_mosaic.version = 14 : i64} {
  func.func @_partial_sums(%arg0: i32, %arg1: i32, %arg2: memref<128x32768xf32, #tpu.memory_space<hbm>>, %arg3: memref<128x32768xi32, #tpu.memory_space<hbm>>, %arg4: memref<32x48xf32, #tpu.memory_space<hbm>>, %arg5: memref<49152xf32, #tpu.memory_space<vmem>>, %arg6: memref<49152xi32, #tpu.memory_space<vmem>>, %arg7: memref<48xf32, #tpu.memory_space<vmem>>, %arg8: memref<!tpu.dma_semaphore, #tpu.memory_space<semaphore_mem>>, %arg9: memref<!tpu.dma_semaphore, #tpu.memory_space<semaphore_mem>>, %arg10: memref<!tpu.dma_semaphore, #tpu.memory_space<semaphore_mem>>) attributes {dimension_semantics = [#tpu.dimension_semantics<core_parallel>, #tpu.dimension_semantics<subcore_parallel>], iteration_bounds = array<i64: 2, 16>, scalar_prefetch = 0 : i64, scratch_operands = 6 : i64, tpu.core_type = #tpu.core_type<sc_vector_subcore>, window_params = [{transform_indices = #map}, {transform_indices = #map}, {transform_indices = #map}]} {
    %mul3A = arith.constant 2 : i32
    %mul3A_0 = arith.muli %arg1, %mul3A : i32
    %add3A = arith.addi %mul3A_0, %arg0 : i32
    %mul3A_1 = arith.constant 2 : i32
    %mul3A_2 = arith.muli %add3A, %mul3A_1 : i32
    %add3A_3 = arith.constant 0 : i32
    %add3A_4 = arith.addi %mul3A_2, %add3A_3 : i32
    %dma_start3A = arith.constant 0 : i32
    %dma_start3A_5 = tpu.memref_slice %arg5[%dma_start3A] : memref<49152xf32, #tpu.memory_space<vmem>> -> memref<16384xf32, #tpu.memory_space<vmem>>
    %dma_start3A_6 = arith.constant 0 : i32
    %dma_start3A_7 = tpu.memref_slice %arg2[%add3A_4, %dma_start3A_6] : memref<128x32768xf32, #tpu.memory_space<hbm>> -> memref<1x16384xf32, #tpu.memory_space<hbm>>
    %dma_start3A_8 = tpu.memref_squeeze %dma_start3A_7 : memref<1x16384xf32, #tpu.memory_space<hbm>> -> memref<16384xf32, #tpu.memory_space<hbm>>
    %dma_start3A_9 = arith.constant 0 : i32
    %dma_start3A_10 = tpu.memref_slice %arg5[%dma_start3A_9] : memref<49152xf32, #tpu.memory_space<vmem>> -> memref<16384xf32, #tpu.memory_space<vmem>>
    %dma_start3A_11 = arith.constant 0 : i32
    %dma_start3A_12 = tpu.memref_slice %arg2[%add3A_4, %dma_start3A_11] : memref<128x32768xf32, #tpu.memory_space<hbm>> -> memref<1x16384xf32, #tpu.memory_space<hbm>>
    %dma_start3A_13 = tpu.memref_squeeze %dma_start3A_12 : memref<1x16384xf32, #tpu.memory_space<hbm>> -> memref<16384xf32, #tpu.memory_space<hbm>>
    tpu.enqueue_dma source(%dma_start3A_13 : memref<16384xf32, #tpu.memory_space<hbm>>) target(%dma_start3A_10 : memref<16384xf32, #tpu.memory_space<vmem>>) target_semaphore(%arg8 : memref<!tpu.dma_semaphore, #tpu.memory_space<semaphore_mem>>)
    %dma_start3A_14 = arith.constant 0 : i32
    %dma_start3A_15 = tpu.memref_slice %arg6[%dma_start3A_14] : memref<49152xi32, #tpu.memory_space<vmem>> -> memref<16384xi32, #tpu.memory_space<vmem>>
    %dma_start3A_16 = arith.constant 0 : i32
    %dma_start3A_17 = tpu.memref_slice %arg3[%add3A_4, %dma_start3A_16] : memref<128x32768xi32, #tpu.memory_space<hbm>> -> memref<1x16384xi32, #tpu.memory_space<hbm>>
    %dma_start3A_18 = tpu.memref_squeeze %dma_start3A_17 : memref<1x16384xi32, #tpu.memory_space<hbm>> -> memref<16384xi32, #tpu.memory_space<hbm>>
    %dma_start3A_19 = arith.constant 0 : i32
    %dma_start3A_20 = tpu.memref_slice %arg6[%dma_start3A_19] : memref<49152xi32, #tpu.memory_space<vmem>> -> memref<16384xi32, #tpu.memory_space<vmem>>
    %dma_start3A_21 = arith.constant 0 : i32
    %dma_start3A_22 = tpu.memref_slice %arg3[%add3A_4, %dma_start3A_21] : memref<128x32768xi32, #tpu.memory_space<hbm>> -> memref<1x16384xi32, #tpu.memory_space<hbm>>
    %dma_start3A_23 = tpu.memref_squeeze %dma_start3A_22 : memref<1x16384xi32, #tpu.memory_space<hbm>> -> memref<16384xi32, #tpu.memory_space<hbm>>
    tpu.enqueue_dma source(%dma_start3A_23 : memref<16384xi32, #tpu.memory_space<hbm>>) target(%dma_start3A_20 : memref<16384xi32, #tpu.memory_space<vmem>>) target_semaphore(%arg8 : memref<!tpu.dma_semaphore, #tpu.memory_space<semaphore_mem>>)
    %add3A_24 = arith.constant 0 : i32
    %add3A_25 = arith.addi %mul3A_2, %add3A_24 : i32
    %dma_start3A_26 = arith.constant 16384 : i32
    %dma_start3A_27 = tpu.memref_slice %arg5[%dma_start3A_26] : memref<49152xf32, #tpu.memory_space<vmem>> -> memref<16384xf32, #tpu.memory_space<vmem>>
    %dma_start3A_28 = arith.constant 16384 : i32
    %dma_start3A_29 = tpu.memref_slice %arg2[%add3A_25, %dma_start3A_28] : memref<128x32768xf32, #tpu.memory_space<hbm>> -> memref<1x16384xf32, #tpu.memory_space<hbm>>
    %dma_start3A_30 = tpu.memref_squeeze %dma_start3A_29 : memref<1x16384xf32, #tpu.memory_space<hbm>> -> memref<16384xf32, #tpu.memory_space<hbm>>
    %dma_start3A_31 = arith.constant 16384 : i32
    %dma_start3A_32 = tpu.memref_slice %arg5[%dma_start3A_31] : memref<49152xf32, #tpu.memory_space<vmem>> -> memref<16384xf32, #tpu.memory_space<vmem>>
    %dma_start3A_33 = arith.constant 16384 : i32
    %dma_start3A_34 = tpu.memref_slice %arg2[%add3A_25, %dma_start3A_33] : memref<128x32768xf32, #tpu.memory_space<hbm>> -> memref<1x16384xf32, #tpu.memory_space<hbm>>
    %dma_start3A_35 = tpu.memref_squeeze %dma_start3A_34 : memref<1x16384xf32, #tpu.memory_space<hbm>> -> memref<16384xf32, #tpu.memory_space<hbm>>
    tpu.enqueue_dma source(%dma_start3A_35 : memref<16384xf32, #tpu.memory_space<hbm>>) target(%dma_start3A_32 : memref<16384xf32, #tpu.memory_space<vmem>>) target_semaphore(%arg9 : memref<!tpu.dma_semaphore, #tpu.memory_space<semaphore_mem>>)
    %dma_start3A_36 = arith.constant 16384 : i32
    %dma_start3A_37 = tpu.memref_slice %arg6[%dma_start3A_36] : memref<49152xi32, #tpu.memory_space<vmem>> -> memref<16384xi32, #tpu.memory_space<vmem>>
    %dma_start3A_38 = arith.constant 16384 : i32
    %dma_start3A_39 = tpu.memref_slice %arg3[%add3A_25, %dma_start3A_38] : memref<128x32768xi32, #tpu.memory_space<hbm>> -> memref<1x16384xi32, #tpu.memory_space<hbm>>
    %dma_start3A_40 = tpu.memref_squeeze %dma_start3A_39 : memref<1x16384xi32, #tpu.memory_space<hbm>> -> memref<16384xi32, #tpu.memory_space<hbm>>
    %dma_start3A_41 = arith.constant 16384 : i32
    %dma_start3A_42 = tpu.memref_slice %arg6[%dma_start3A_41] : memref<49152xi32, #tpu.memory_space<vmem>> -> memref<16384xi32, #tpu.memory_space<vmem>>
    %dma_start3A_43 = arith.constant 16384 : i32
    %dma_start3A_44 = tpu.memref_slice %arg3[%add3A_25, %dma_start3A_43] : memref<128x32768xi32, #tpu.memory_space<hbm>> -> memref<1x16384xi32, #tpu.memory_space<hbm>>
    %dma_start3A_45 = tpu.memref_squeeze %dma_start3A_44 : memref<1x16384xi32, #tpu.memory_space<hbm>> -> memref<16384xi32, #tpu.memory_space<hbm>>
    tpu.enqueue_dma source(%dma_start3A_45 : memref<16384xi32, #tpu.memory_space<hbm>>) target(%dma_start3A_42 : memref<16384xi32, #tpu.memory_space<vmem>>) target_semaphore(%arg9 : memref<!tpu.dma_semaphore, #tpu.memory_space<semaphore_mem>>)
    %broadcast_in_dim3A = arith.constant 0.000000e+00 : f32
    %broadcast_in_dim3A_46 = vector.broadcast %broadcast_in_dim3A : f32 to vector<16xf32>
    %broadcast_in_dim3A_47 = arith.constant 0 : i32
    %broadcast_in_dim3A_48 = vector.broadcast %broadcast_in_dim3A_47 : i32 to vector<16xi32>
    %dma_wait3A = arith.constant 0 : i32
    %dma_wait3A_49 = tpu.memref_slice %arg5[%dma_wait3A] : memref<49152xf32, #tpu.memory_space<vmem>> -> memref<16384xf32, #tpu.memory_space<vmem>>
    %dma_wait3A_50 = arith.constant 0 : i32
    %dma_wait3A_51 = tpu.memref_slice %arg2[%add3A_4, %dma_wait3A_50] : memref<128x32768xf32, #tpu.memory_space<hbm>> -> memref<1x16384xf32, #tpu.memory_space<hbm>>
    %dma_wait3A_52 = tpu.memref_squeeze %dma_wait3A_51 : memref<1x16384xf32, #tpu.memory_space<hbm>> -> memref<16384xf32, #tpu.memory_space<hbm>>
    %dma_wait3A_53 = arith.constant 0 : i32
    %dma_wait3A_54 = tpu.memref_slice %arg5[%dma_wait3A_53] : memref<49152xf32, #tpu.memory_space<vmem>> -> memref<16384xf32, #tpu.memory_space<vmem>>
    %dma_wait3A_55 = arith.constant 0 : i32
    %dma_wait3A_56 = tpu.memref_slice %arg2[%add3A_4, %dma_wait3A_55] : memref<128x32768xf32, #tpu.memory_space<hbm>> -> memref<1x16384xf32, #tpu.memory_space<hbm>>
    %dma_wait3A_57 = tpu.memref_squeeze %dma_wait3A_56 : memref<1x16384xf32, #tpu.memory_space<hbm>> -> memref<16384xf32, #tpu.memory_space<hbm>>
    tpu.wait_dma2 semaphore(%arg8 : memref<!tpu.dma_semaphore, #tpu.memory_space<semaphore_mem>>) src(%dma_wait3A_57 : memref<16384xf32, #tpu.memory_space<hbm>>) dst(%dma_wait3A_54 : memref<16384xf32, #tpu.memory_space<vmem>>)
    %dma_wait3A_58 = arith.constant 0 : i32
    %dma_wait3A_59 = tpu.memref_slice %arg6[%dma_wait3A_58] : memref<49152xi32, #tpu.memory_space<vmem>> -> memref<16384xi32, #tpu.memory_space<vmem>>
    %dma_wait3A_60 = arith.constant 0 : i32
    %dma_wait3A_61 = tpu.memref_slice %arg3[%add3A_4, %dma_wait3A_60] : memref<128x32768xi32, #tpu.memory_space<hbm>> -> memref<1x16384xi32, #tpu.memory_space<hbm>>
    %dma_wait3A_62 = tpu.memref_squeeze %dma_wait3A_61 : memref<1x16384xi32, #tpu.memory_space<hbm>> -> memref<16384xi32, #tpu.memory_space<hbm>>
    %dma_wait3A_63 = arith.constant 0 : i32
    %dma_wait3A_64 = tpu.memref_slice %arg6[%dma_wait3A_63] : memref<49152xi32, #tpu.memory_space<vmem>> -> memref<16384xi32, #tpu.memory_space<vmem>>
    %dma_wait3A_65 = arith.constant 0 : i32
    %dma_wait3A_66 = tpu.memref_slice %arg3[%add3A_4, %dma_wait3A_65] : memref<128x32768xi32, #tpu.memory_space<hbm>> -> memref<1x16384xi32, #tpu.memory_space<hbm>>
    %dma_wait3A_67 = tpu.memref_squeeze %dma_wait3A_66 : memref<1x16384xi32, #tpu.memory_space<hbm>> -> memref<16384xi32, #tpu.memory_space<hbm>>
    tpu.wait_dma2 semaphore(%arg8 : memref<!tpu.dma_semaphore, #tpu.memory_space<semaphore_mem>>) src(%dma_wait3A_67 : memref<16384xi32, #tpu.memory_space<hbm>>) dst(%dma_wait3A_64 : memref<16384xi32, #tpu.memory_space<vmem>>)
    %add3A_68 = arith.constant 1 : i32
    %add3A_69 = arith.addi %mul3A_2, %add3A_68 : i32
    %parallel_loop3A = arith.constant 0 : i32
    %parallel_loop3A_70 = arith.constant 16384 : i32
    %parallel_loop3A_71 = arith.constant 128 : i32
    %parallel_loop3A_72:6 = scf.for %parallel_loop3A_161 = %parallel_loop3A to %parallel_loop3A_70 step %parallel_loop3A_71 iter_args(%parallel_loop3A_162 = %broadcast_in_dim3A_46, %parallel_loop3A_163 = %broadcast_in_dim3A_46, %parallel_loop3A_164 = %broadcast_in_dim3A_48, %parallel_loop3A_165 = %broadcast_in_dim3A_46, %parallel_loop3A_166 = %broadcast_in_dim3A_46, %parallel_loop3A_167 = %broadcast_in_dim3A_48) -> (vector<16xf32>, vector<16xf32>, vector<16xi32>, vector<16xf32>, vector<16xf32>, vector<16xi32>)  : i32 {
      %parallel_loop3A_168 = arith.constant 0 : i32
      %parallel_loop3A_169 = arith.addi %parallel_loop3A_168, %parallel_loop3A_161 : i32
      %parallel_loop3A_170 = arith.constant 32768 : i32
      %parallel_loop3A_171 = arith.addi %parallel_loop3A_170, %parallel_loop3A_161 : i32
      %parallel_loop3A_172 = tpu.memref_slice %arg5[%parallel_loop3A_171] : memref<49152xf32, #tpu.memory_space<vmem>> -> memref<128xf32, #tpu.memory_space<vmem>>
      %parallel_loop3A_173 = tpu.memref_slice %arg2[%add3A_69, %parallel_loop3A_169] : memref<128x32768xf32, #tpu.memory_space<hbm>> -> memref<1x128xf32, #tpu.memory_space<hbm>>
      %parallel_loop3A_174 = tpu.memref_squeeze %parallel_loop3A_173 : memref<1x128xf32, #tpu.memory_space<hbm>> -> memref<128xf32, #tpu.memory_space<hbm>>
      %parallel_loop3A_175 = tpu.memref_slice %arg5[%parallel_loop3A_171] : memref<49152xf32, #tpu.memory_space<vmem>> -> memref<128xf32, #tpu.memory_space<vmem>>
      %parallel_loop3A_176 = tpu.memref_slice %arg2[%add3A_69, %parallel_loop3A_169] : memref<128x32768xf32, #tpu.memory_space<hbm>> -> memref<1x128xf32, #tpu.memory_space<hbm>>
      %parallel_loop3A_177 = tpu.memref_squeeze %parallel_loop3A_176 : memref<1x128xf32, #tpu.memory_space<hbm>> -> memref<128xf32, #tpu.memory_space<hbm>>
      tpu.enqueue_dma source(%parallel_loop3A_177 : memref<128xf32, #tpu.memory_space<hbm>>) target(%parallel_loop3A_175 : memref<128xf32, #tpu.memory_space<vmem>>) target_semaphore(%arg10 : memref<!tpu.dma_semaphore, #tpu.memory_space<semaphore_mem>>)
      %parallel_loop3A_178 = arith.constant 0 : i32
      %parallel_loop3A_179 = arith.addi %parallel_loop3A_178, %parallel_loop3A_161 : i32
      %parallel_loop3A_180 = arith.constant 32768 : i32
      %parallel_loop3A_181 = arith.addi %parallel_loop3A_180, %parallel_loop3A_161 : i32
      %parallel_loop3A_182 = tpu.memref_slice %arg6[%parallel_loop3A_181] : memref<49152xi32, #tpu.memory_space<vmem>> -> memref<128xi32, #tpu.memory_space<vmem>>
      %parallel_loop3A_183 = tpu.memref_slice %arg3[%add3A_69, %parallel_loop3A_179] : memref<128x32768xi32, #tpu.memory_space<hbm>> -> memref<1x128xi32, #tpu.memory_space<hbm>>
      %parallel_loop3A_184 = tpu.memref_squeeze %parallel_loop3A_183 : memref<1x128xi32, #tpu.memory_space<hbm>> -> memref<128xi32, #tpu.memory_space<hbm>>
      %parallel_loop3A_185 = tpu.memref_slice %arg6[%parallel_loop3A_181] : memref<49152xi32, #tpu.memory_space<vmem>> -> memref<128xi32, #tpu.memory_space<vmem>>
      %parallel_loop3A_186 = tpu.memref_slice %arg3[%add3A_69, %parallel_loop3A_179] : memref<128x32768xi32, #tpu.memory_space<hbm>> -> memref<1x128xi32, #tpu.memory_space<hbm>>
      %parallel_loop3A_187 = tpu.memref_squeeze %parallel_loop3A_186 : memref<1x128xi32, #tpu.memory_space<hbm>> -> memref<128xi32, #tpu.memory_space<hbm>>
      tpu.enqueue_dma source(%parallel_loop3A_187 : memref<128xi32, #tpu.memory_space<hbm>>) target(%parallel_loop3A_185 : memref<128xi32, #tpu.memory_space<vmem>>) target_semaphore(%arg10 : memref<!tpu.dma_semaphore, #tpu.memory_space<semaphore_mem>>)
      %parallel_loop3A_188 = arith.constant 0 : i32
      %parallel_loop3A_189 = arith.addi %parallel_loop3A_161, %parallel_loop3A_188 : i32
      %parallel_loop3A_190 = arith.constant 0 : i32
      %parallel_loop3A_191 = tpu.memref_slice %arg6[%parallel_loop3A_190] : memref<49152xi32, #tpu.memory_space<vmem>> -> memref<16384xi32, #tpu.memory_space<vmem>>
      %parallel_loop3A_192 = arith.index_cast %parallel_loop3A_189 : i32 to index
      %parallel_loop3A_193 = tpu.vector_load %parallel_loop3A_191[%parallel_loop3A_192] {strides = array<i32>} : memref<16384xi32, #tpu.memory_space<vmem>>, vector<16xi32>,
      %parallel_loop3A_194 = vector.shape_cast %parallel_loop3A_193 : vector<16xi32> to vector<16xi32>
      %parallel_loop3A_195 = arith.constant 0 : i32
      %parallel_loop3A_196 = tpu.memref_slice %arg5[%parallel_loop3A_195] : memref<49152xf32, #tpu.memory_space<vmem>> -> memref<16384xf32, #tpu.memory_space<vmem>>
      %parallel_loop3A_197 = arith.index_cast %parallel_loop3A_189 : i32 to index
      %parallel_loop3A_198 = tpu.vector_load %parallel_loop3A_196[%parallel_loop3A_197] {strides = array<i32>} : memref<16384xf32, #tpu.memory_space<vmem>>, vector<16xf32>,
      %parallel_loop3A_199 = vector.shape_cast %parallel_loop3A_198 : vector<16xf32> to vector<16xf32>
      %parallel_loop3A_200 = arith.constant -1.000000e+00 : f32
      %parallel_loop3A_201 = vector.broadcast %parallel_loop3A_200 : f32 to vector<16xf32>
      %parallel_loop3A_202 = arith.mulf %parallel_loop3A_199, %parallel_loop3A_201 : vector<16xf32>
      %parallel_loop3A_203 = math.exp %parallel_loop3A_202 : vector<16xf32>
      %parallel_loop3A_204 = arith.constant 1.000000e+00 : f32
      %parallel_loop3A_205 = vector.broadcast %parallel_loop3A_204 : f32 to vector<16xf32>
      %parallel_loop3A_206 = arith.addf %parallel_loop3A_205, %parallel_loop3A_203 : vector<16xf32>
      %parallel_loop3A_207 = arith.constant 1.000000e+00 : f32
      %parallel_loop3A_208 = vector.broadcast %parallel_loop3A_207 : f32 to vector<16xf32>
      %parallel_loop3A_209 = arith.divf %parallel_loop3A_208, %parallel_loop3A_206 : vector<16xf32>
      %parallel_loop3A_210 = arith.addf %parallel_loop3A_162, %parallel_loop3A_209 : vector<16xf32>
      %parallel_loop3A_211 = arith.constant 0 : i32
      %parallel_loop3A_212 = vector.broadcast %parallel_loop3A_211 : i32 to vector<16xi32>
      %parallel_loop3A_213 = arith.cmpi ne, %parallel_loop3A_194, %parallel_loop3A_212 : vector<16xi32>
      %parallel_loop3A_214 = arith.constant 0.000000e+00 : f32
      %parallel_loop3A_215 = vector.broadcast %parallel_loop3A_214 : f32 to vector<16xf32>
      %parallel_loop3A_216 = arith.select %parallel_loop3A_213, %parallel_loop3A_209, %parallel_loop3A_215 : vector<16xi1>, vector<16xf32>
      %parallel_loop3A_217 = arith.addf %parallel_loop3A_163, %parallel_loop3A_216 : vector<16xf32>
      %parallel_loop3A_218 = arith.addi %parallel_loop3A_164, %parallel_loop3A_194 : vector<16xi32>
      %parallel_loop3A_219 = arith.constant 16 : i32
      %parallel_loop3A_220 = arith.addi %parallel_loop3A_161, %parallel_loop3A_219 : i32
      %parallel_loop3A_221 = arith.constant 0 : i32
      %parallel_loop3A_222 = tpu.memref_slice %arg6[%parallel_loop3A_221] : memref<49152xi32, #tpu.memory_space<vmem>> -> memref<16384xi32, #tpu.memory_space<vmem>>
      %parallel_loop3A_223 = arith.index_cast %parallel_loop3A_220 : i32 to index
      %parallel_loop3A_224 = tpu.vector_load %parallel_loop3A_222[%parallel_loop3A_223] {strides = array<i32>} : memref<16384xi32, #tpu.memory_space<vmem>>, vector<16xi32>,
      %parallel_loop3A_225 = vector.shape_cast %parallel_loop3A_224 : vector<16xi32> to vector<16xi32>
      %parallel_loop3A_226 = arith.constant 0 : i32
      %parallel_loop3A_227 = tpu.memref_slice %arg5[%parallel_loop3A_226] : memref<49152xf32, #tpu.memory_space<vmem>> -> memref<16384xf32, #tpu.memory_space<vmem>>
      %parallel_loop3A_228 = arith.index_cast %parallel_loop3A_220 : i32 to index
      %parallel_loop3A_229 = tpu.vector_load %parallel_loop3A_227[%parallel_loop3A_228] {strides = array<i32>} : memref<16384xf32, #tpu.memory_space<vmem>>, vector<16xf32>,
      %parallel_loop3A_230 = vector.shape_cast %parallel_loop3A_229 : vector<16xf32> to vector<16xf32>
      %parallel_loop3A_231 = arith.constant -1.000000e+00 : f32
      %parallel_loop3A_232 = vector.broadcast %parallel_loop3A_231 : f32 to vector<16xf32>
      %parallel_loop3A_233 = arith.mulf %parallel_loop3A_230, %parallel_loop3A_232 : vector<16xf32>
      %parallel_loop3A_234 = math.exp %parallel_loop3A_233 : vector<16xf32>
      %parallel_loop3A_235 = arith.constant 1.000000e+00 : f32
      %parallel_loop3A_236 = vector.broadcast %parallel_loop3A_235 : f32 to vector<16xf32>
      %parallel_loop3A_237 = arith.addf %parallel_loop3A_236, %parallel_loop3A_234 : vector<16xf32>
      %parallel_loop3A_238 = arith.constant 1.000000e+00 : f32
      %parallel_loop3A_239 = vector.broadcast %parallel_loop3A_238 : f32 to vector<16xf32>
      %parallel_loop3A_240 = arith.divf %parallel_loop3A_239, %parallel_loop3A_237 : vector<16xf32>
      %parallel_loop3A_241 = arith.addf %parallel_loop3A_165, %parallel_loop3A_240 : vector<16xf32>
      %parallel_loop3A_242 = arith.constant 0 : i32
      %parallel_loop3A_243 = vector.broadcast %parallel_loop3A_242 : i32 to vector<16xi32>
      %parallel_loop3A_244 = arith.cmpi ne, %parallel_loop3A_225, %parallel_loop3A_243 : vector<16xi32>
      %parallel_loop3A_245 = arith.constant 0.000000e+00 : f32
      %parallel_loop3A_246 = vector.broadcast %parallel_loop3A_245 : f32 to vector<16xf32>
      %parallel_loop3A_247 = arith.select %parallel_loop3A_244, %parallel_loop3A_240, %parallel_loop3A_246 : vector<16xi1>, vector<16xf32>
      %parallel_loop3A_248 = arith.addf %parallel_loop3A_166, %parallel_loop3A_247 : vector<16xf32>
      %parallel_loop3A_249 = arith.addi %parallel_loop3A_167, %parallel_loop3A_225 : vector<16xi32>
      %parallel_loop3A_250 = arith.constant 32 : i32
      %parallel_loop3A_251 = arith.addi %parallel_loop3A_161, %parallel_loop3A_250 : i32
      %parallel_loop3A_252 = arith.constant 0 : i32
      %parallel_loop3A_253 = tpu.memref_slice %arg6[%parallel_loop3A_252] : memref<49152xi32, #tpu.memory_space<vmem>> -> memref<16384xi32, #tpu.memory_space<vmem>>
      %parallel_loop3A_254 = arith.index_cast %parallel_loop3A_251 : i32 to index
      %parallel_loop3A_255 = tpu.vector_load %parallel_loop3A_253[%parallel_loop3A_254] {strides = array<i32>} : memref<16384xi32, #tpu.memory_space<vmem>>, vector<16xi32>,
      %parallel_loop3A_256 = vector.shape_cast %parallel_loop3A_255 : vector<16xi32> to vector<16xi32>
      %parallel_loop3A_257 = arith.constant 0 : i32
      %parallel_loop3A_258 = tpu.memref_slice %arg5[%parallel_loop3A_257] : memref<49152xf32, #tpu.memory_space<vmem>> -> memref<16384xf32, #tpu.memory_space<vmem>>
      %parallel_loop3A_259 = arith.index_cast %parallel_loop3A_251 : i32 to index
      %parallel_loop3A_260 = tpu.vector_load %parallel_loop3A_258[%parallel_loop3A_259] {strides = array<i32>} : memref<16384xf32, #tpu.memory_space<vmem>>, vector<16xf32>,
      %parallel_loop3A_261 = vector.shape_cast %parallel_loop3A_260 : vector<16xf32> to vector<16xf32>
      %parallel_loop3A_262 = arith.constant -1.000000e+00 : f32
      %parallel_loop3A_263 = vector.broadcast %parallel_loop3A_262 : f32 to vector<16xf32>
      %parallel_loop3A_264 = arith.mulf %parallel_loop3A_261, %parallel_loop3A_263 : vector<16xf32>
      %parallel_loop3A_265 = math.exp %parallel_loop3A_264 : vector<16xf32>
      %parallel_loop3A_266 = arith.constant 1.000000e+00 : f32
      %parallel_loop3A_267 = vector.broadcast %parallel_loop3A_266 : f32 to vector<16xf32>
      %parallel_loop3A_268 = arith.addf %parallel_loop3A_267, %parallel_loop3A_265 : vector<16xf32>
      %parallel_loop3A_269 = arith.constant 1.000000e+00 : f32
      %parallel_loop3A_270 = vector.broadcast %parallel_loop3A_269 : f32 to vector<16xf32>
      %parallel_loop3A_271 = arith.divf %parallel_loop3A_270, %parallel_loop3A_268 : vector<16xf32>
      %parallel_loop3A_272 = arith.addf %parallel_loop3A_210, %parallel_loop3A_271 : vector<16xf32>
      %parallel_loop3A_273 = arith.constant 0 : i32
      %parallel_loop3A_274 = vector.broadcast %parallel_loop3A_273 : i32 to vector<16xi32>
      %parallel_loop3A_275 = arith.cmpi ne, %parallel_loop3A_256, %parallel_loop3A_274 : vector<16xi32>
      %parallel_loop3A_276 = arith.constant 0.000000e+00 : f32
      %parallel_loop3A_277 = vector.broadcast %parallel_loop3A_276 : f32 to vector<16xf32>
      %parallel_loop3A_278 = arith.select %parallel_loop3A_275, %parallel_loop3A_271, %parallel_loop3A_277 : vector<16xi1>, vector<16xf32>
      %parallel_loop3A_279 = arith.addf %parallel_loop3A_217, %parallel_loop3A_278 : vector<16xf32>
      %parallel_loop3A_280 = arith.addi %parallel_loop3A_218, %parallel_loop3A_256 : vector<16xi32>
      %parallel_loop3A_281 = arith.constant 48 : i32
      %parallel_loop3A_282 = arith.addi %parallel_loop3A_161, %parallel_loop3A_281 : i32
      %parallel_loop3A_283 = arith.constant 0 : i32
      %parallel_loop3A_284 = tpu.memref_slice %arg6[%parallel_loop3A_283] : memref<49152xi32, #tpu.memory_space<vmem>> -> memref<16384xi32, #tpu.memory_space<vmem>>
      %parallel_loop3A_285 = arith.index_cast %parallel_loop3A_282 : i32 to index
      %parallel_loop3A_286 = tpu.vector_load %parallel_loop3A_284[%parallel_loop3A_285] {strides = array<i32>} : memref<16384xi32, #tpu.memory_space<vmem>>, vector<16xi32>,
      %parallel_loop3A_287 = vector.shape_cast %parallel_loop3A_286 : vector<16xi32> to vector<16xi32>
      %parallel_loop3A_288 = arith.constant 0 : i32
      %parallel_loop3A_289 = tpu.memref_slice %arg5[%parallel_loop3A_288] : memref<49152xf32, #tpu.memory_space<vmem>> -> memref<16384xf32, #tpu.memory_space<vmem>>
      %parallel_loop3A_290 = arith.index_cast %parallel_loop3A_282 : i32 to index
      %parallel_loop3A_291 = tpu.vector_load %parallel_loop3A_289[%parallel_loop3A_290] {strides = array<i32>} : memref<16384xf32, #tpu.memory_space<vmem>>, vector<16xf32>,
      %parallel_loop3A_292 = vector.shape_cast %parallel_loop3A_291 : vector<16xf32> to vector<16xf32>
      %parallel_loop3A_293 = arith.constant -1.000000e+00 : f32
      %parallel_loop3A_294 = vector.broadcast %parallel_loop3A_293 : f32 to vector<16xf32>
      %parallel_loop3A_295 = arith.mulf %parallel_loop3A_292, %parallel_loop3A_294 : vector<16xf32>
      %parallel_loop3A_296 = math.exp %parallel_loop3A_295 : vector<16xf32>
      %parallel_loop3A_297 = arith.constant 1.000000e+00 : f32
      %parallel_loop3A_298 = vector.broadcast %parallel_loop3A_297 : f32 to vector<16xf32>
      %parallel_loop3A_299 = arith.addf %parallel_loop3A_298, %parallel_loop3A_296 : vector<16xf32>
      %parallel_loop3A_300 = arith.constant 1.000000e+00 : f32
      %parallel_loop3A_301 = vector.broadcast %parallel_loop3A_300 : f32 to vector<16xf32>
      %parallel_loop3A_302 = arith.divf %parallel_loop3A_301, %parallel_loop3A_299 : vector<16xf32>
      %parallel_loop3A_303 = arith.addf %parallel_loop3A_241, %parallel_loop3A_302 : vector<16xf32>
      %parallel_loop3A_304 = arith.constant 0 : i32
      %parallel_loop3A_305 = vector.broadcast %parallel_loop3A_304 : i32 to vector<16xi32>
      %parallel_loop3A_306 = arith.cmpi ne, %parallel_loop3A_287, %parallel_loop3A_305 : vector<16xi32>
      %parallel_loop3A_307 = arith.constant 0.000000e+00 : f32
      %parallel_loop3A_308 = vector.broadcast %parallel_loop3A_307 : f32 to vector<16xf32>
      %parallel_loop3A_309 = arith.select %parallel_loop3A_306, %parallel_loop3A_302, %parallel_loop3A_308 : vector<16xi1>, vector<16xf32>
      %parallel_loop3A_310 = arith.addf %parallel_loop3A_248, %parallel_loop3A_309 : vector<16xf32>
      %parallel_loop3A_311 = arith.addi %parallel_loop3A_249, %parallel_loop3A_287 : vector<16xi32>
      %parallel_loop3A_312 = arith.constant 64 : i32
      %parallel_loop3A_313 = arith.addi %parallel_loop3A_161, %parallel_loop3A_312 : i32
      %parallel_loop3A_314 = arith.constant 0 : i32
      %parallel_loop3A_315 = tpu.memref_slice %arg6[%parallel_loop3A_314] : memref<49152xi32, #tpu.memory_space<vmem>> -> memref<16384xi32, #tpu.memory_space<vmem>>
      %parallel_loop3A_316 = arith.index_cast %parallel_loop3A_313 : i32 to index
      %parallel_loop3A_317 = tpu.vector_load %parallel_loop3A_315[%parallel_loop3A_316] {strides = array<i32>} : memref<16384xi32, #tpu.memory_space<vmem>>, vector<16xi32>,
      %parallel_loop3A_318 = vector.shape_cast %parallel_loop3A_317 : vector<16xi32> to vector<16xi32>
      %parallel_loop3A_319 = arith.constant 0 : i32
      %parallel_loop3A_320 = tpu.memref_slice %arg5[%parallel_loop3A_319] : memref<49152xf32, #tpu.memory_space<vmem>> -> memref<16384xf32, #tpu.memory_space<vmem>>
      %parallel_loop3A_321 = arith.index_cast %parallel_loop3A_313 : i32 to index
      %parallel_loop3A_322 = tpu.vector_load %parallel_loop3A_320[%parallel_loop3A_321] {strides = array<i32>} : memref<16384xf32, #tpu.memory_space<vmem>>, vector<16xf32>,
      %parallel_loop3A_323 = vector.shape_cast %parallel_loop3A_322 : vector<16xf32> to vector<16xf32>
      %parallel_loop3A_324 = arith.constant -1.000000e+00 : f32
      %parallel_loop3A_325 = vector.broadcast %parallel_loop3A_324 : f32 to vector<16xf32>
      %parallel_loop3A_326 = arith.mulf %parallel_loop3A_323, %parallel_loop3A_325 : vector<16xf32>
      %parallel_loop3A_327 = math.exp %parallel_loop3A_326 : vector<16xf32>
      %parallel_loop3A_328 = arith.constant 1.000000e+00 : f32
      %parallel_loop3A_329 = vector.broadcast %parallel_loop3A_328 : f32 to vector<16xf32>
      %parallel_loop3A_330 = arith.addf %parallel_loop3A_329, %parallel_loop3A_327 : vector<16xf32>
      %parallel_loop3A_331 = arith.constant 1.000000e+00 : f32
      %parallel_loop3A_332 = vector.broadcast %parallel_loop3A_331 : f32 to vector<16xf32>
      %parallel_loop3A_333 = arith.divf %parallel_loop3A_332, %parallel_loop3A_330 : vector<16xf32>
      %parallel_loop3A_334 = arith.addf %parallel_loop3A_272, %parallel_loop3A_333 : vector<16xf32>
      %parallel_loop3A_335 = arith.constant 0 : i32
      %parallel_loop3A_336 = vector.broadcast %parallel_loop3A_335 : i32 to vector<16xi32>
      %parallel_loop3A_337 = arith.cmpi ne, %parallel_loop3A_318, %parallel_loop3A_336 : vector<16xi32>
      %parallel_loop3A_338 = arith.constant 0.000000e+00 : f32
      %parallel_loop3A_339 = vector.broadcast %parallel_loop3A_338 : f32 to vector<16xf32>
      %parallel_loop3A_340 = arith.select %parallel_loop3A_337, %parallel_loop3A_333, %parallel_loop3A_339 : vector<16xi1>, vector<16xf32>
      %parallel_loop3A_341 = arith.addf %parallel_loop3A_279, %parallel_loop3A_340 : vector<16xf32>
      %parallel_loop3A_342 = arith.addi %parallel_loop3A_280, %parallel_loop3A_318 : vector<16xi32>
      %parallel_loop3A_343 = arith.constant 80 : i32
      %parallel_loop3A_344 = arith.addi %parallel_loop3A_161, %parallel_loop3A_343 : i32
      %parallel_loop3A_345 = arith.constant 0 : i32
      %parallel_loop3A_346 = tpu.memref_slice %arg6[%parallel_loop3A_345] : memref<49152xi32, #tpu.memory_space<vmem>> -> memref<16384xi32, #tpu.memory_space<vmem>>
      %parallel_loop3A_347 = arith.index_cast %parallel_loop3A_344 : i32 to index
      %parallel_loop3A_348 = tpu.vector_load %parallel_loop3A_346[%parallel_loop3A_347] {strides = array<i32>} : memref<16384xi32, #tpu.memory_space<vmem>>, vector<16xi32>,
      %parallel_loop3A_349 = vector.shape_cast %parallel_loop3A_348 : vector<16xi32> to vector<16xi32>
      %parallel_loop3A_350 = arith.constant 0 : i32
      %parallel_loop3A_351 = tpu.memref_slice %arg5[%parallel_loop3A_350] : memref<49152xf32, #tpu.memory_space<vmem>> -> memref<16384xf32, #tpu.memory_space<vmem>>
      %parallel_loop3A_352 = arith.index_cast %parallel_loop3A_344 : i32 to index
      %parallel_loop3A_353 = tpu.vector_load %parallel_loop3A_351[%parallel_loop3A_352] {strides = array<i32>} : memref<16384xf32, #tpu.memory_space<vmem>>, vector<16xf32>,
      %parallel_loop3A_354 = vector.shape_cast %parallel_loop3A_353 : vector<16xf32> to vector<16xf32>
      %parallel_loop3A_355 = arith.constant -1.000000e+00 : f32
      %parallel_loop3A_356 = vector.broadcast %parallel_loop3A_355 : f32 to vector<16xf32>
      %parallel_loop3A_357 = arith.mulf %parallel_loop3A_354, %parallel_loop3A_356 : vector<16xf32>
      %parallel_loop3A_358 = math.exp %parallel_loop3A_357 : vector<16xf32>
      %parallel_loop3A_359 = arith.constant 1.000000e+00 : f32
      %parallel_loop3A_360 = vector.broadcast %parallel_loop3A_359 : f32 to vector<16xf32>
      %parallel_loop3A_361 = arith.addf %parallel_loop3A_360, %parallel_loop3A_358 : vector<16xf32>
      %parallel_loop3A_362 = arith.constant 1.000000e+00 : f32
      %parallel_loop3A_363 = vector.broadcast %parallel_loop3A_362 : f32 to vector<16xf32>
      %parallel_loop3A_364 = arith.divf %parallel_loop3A_363, %parallel_loop3A_361 : vector<16xf32>
      %parallel_loop3A_365 = arith.addf %parallel_loop3A_303, %parallel_loop3A_364 : vector<16xf32>
      %parallel_loop3A_366 = arith.constant 0 : i32
      %parallel_loop3A_367 = vector.broadcast %parallel_loop3A_366 : i32 to vector<16xi32>
      %parallel_loop3A_368 = arith.cmpi ne, %parallel_loop3A_349, %parallel_loop3A_367 : vector<16xi32>
      %parallel_loop3A_369 = arith.constant 0.000000e+00 : f32
      %parallel_loop3A_370 = vector.broadcast %parallel_loop3A_369 : f32 to vector<16xf32>
      %parallel_loop3A_371 = arith.select %parallel_loop3A_368, %parallel_loop3A_364, %parallel_loop3A_370 : vector<16xi1>, vector<16xf32>
      %parallel_loop3A_372 = arith.addf %parallel_loop3A_310, %parallel_loop3A_371 : vector<16xf32>
      %parallel_loop3A_373 = arith.addi %parallel_loop3A_311, %parallel_loop3A_349 : vector<16xi32>
      %parallel_loop3A_374 = arith.constant 96 : i32
      %parallel_loop3A_375 = arith.addi %parallel_loop3A_161, %parallel_loop3A_374 : i32
      %parallel_loop3A_376 = arith.constant 0 : i32
      %parallel_loop3A_377 = tpu.memref_slice %arg6[%parallel_loop3A_376] : memref<49152xi32, #tpu.memory_space<vmem>> -> memref<16384xi32, #tpu.memory_space<vmem>>
      %parallel_loop3A_378 = arith.index_cast %parallel_loop3A_375 : i32 to index
      %parallel_loop3A_379 = tpu.vector_load %parallel_loop3A_377[%parallel_loop3A_378] {strides = array<i32>} : memref<16384xi32, #tpu.memory_space<vmem>>, vector<16xi32>,
      %parallel_loop3A_380 = vector.shape_cast %parallel_loop3A_379 : vector<16xi32> to vector<16xi32>
      %parallel_loop3A_381 = arith.constant 0 : i32
      %parallel_loop3A_382 = tpu.memref_slice %arg5[%parallel_loop3A_381] : memref<49152xf32, #tpu.memory_space<vmem>> -> memref<16384xf32, #tpu.memory_space<vmem>>
      %parallel_loop3A_383 = arith.index_cast %parallel_loop3A_375 : i32 to index
      %parallel_loop3A_384 = tpu.vector_load %parallel_loop3A_382[%parallel_loop3A_383] {strides = array<i32>} : memref<16384xf32, #tpu.memory_space<vmem>>, vector<16xf32>,
      %parallel_loop3A_385 = vector.shape_cast %parallel_loop3A_384 : vector<16xf32> to vector<16xf32>
      %parallel_loop3A_386 = arith.constant -1.000000e+00 : f32
      %parallel_loop3A_387 = vector.broadcast %parallel_loop3A_386 : f32 to vector<16xf32>
      %parallel_loop3A_388 = arith.mulf %parallel_loop3A_385, %parallel_loop3A_387 : vector<16xf32>
      %parallel_loop3A_389 = math.exp %parallel_loop3A_388 : vector<16xf32>
      %parallel_loop3A_390 = arith.constant 1.000000e+00 : f32
      %parallel_loop3A_391 = vector.broadcast %parallel_loop3A_390 : f32 to vector<16xf32>
      %parallel_loop3A_392 = arith.addf %parallel_loop3A_391, %parallel_loop3A_389 : vector<16xf32>
      %parallel_loop3A_393 = arith.constant 1.000000e+00 : f32
      %parallel_loop3A_394 = vector.broadcast %parallel_loop3A_393 : f32 to vector<16xf32>
      %parallel_loop3A_395 = arith.divf %parallel_loop3A_394, %parallel_loop3A_392 : vector<16xf32>
      %parallel_loop3A_396 = arith.addf %parallel_loop3A_334, %parallel_loop3A_395 : vector<16xf32>
      %parallel_loop3A_397 = arith.constant 0 : i32
      %parallel_loop3A_398 = vector.broadcast %parallel_loop3A_397 : i32 to vector<16xi32>
      %parallel_loop3A_399 = arith.cmpi ne, %parallel_loop3A_380, %parallel_loop3A_398 : vector<16xi32>
      %parallel_loop3A_400 = arith.constant 0.000000e+00 : f32
      %parallel_loop3A_401 = vector.broadcast %parallel_loop3A_400 : f32 to vector<16xf32>
      %parallel_loop3A_402 = arith.select %parallel_loop3A_399, %parallel_loop3A_395, %parallel_loop3A_401 : vector<16xi1>, vector<16xf32>
      %parallel_loop3A_403 = arith.addf %parallel_loop3A_341, %parallel_loop3A_402 : vector<16xf32>
      %parallel_loop3A_404 = arith.addi %parallel_loop3A_342, %parallel_loop3A_380 : vector<16xi32>
      %parallel_loop3A_405 = arith.constant 112 : i32
      %parallel_loop3A_406 = arith.addi %parallel_loop3A_161, %parallel_loop3A_405 : i32
      %parallel_loop3A_407 = arith.constant 0 : i32
      %parallel_loop3A_408 = tpu.memref_slice %arg6[%parallel_loop3A_407] : memref<49152xi32, #tpu.memory_space<vmem>> -> memref<16384xi32, #tpu.memory_space<vmem>>
      %parallel_loop3A_409 = arith.index_cast %parallel_loop3A_406 : i32 to index
      %parallel_loop3A_410 = tpu.vector_load %parallel_loop3A_408[%parallel_loop3A_409] {strides = array<i32>} : memref<16384xi32, #tpu.memory_space<vmem>>, vector<16xi32>,
      %parallel_loop3A_411 = vector.shape_cast %parallel_loop3A_410 : vector<16xi32> to vector<16xi32>
      %parallel_loop3A_412 = arith.constant 0 : i32
      %parallel_loop3A_413 = tpu.memref_slice %arg5[%parallel_loop3A_412] : memref<49152xf32, #tpu.memory_space<vmem>> -> memref<16384xf32, #tpu.memory_space<vmem>>
      %parallel_loop3A_414 = arith.index_cast %parallel_loop3A_406 : i32 to index
      %parallel_loop3A_415 = tpu.vector_load %parallel_loop3A_413[%parallel_loop3A_414] {strides = array<i32>} : memref<16384xf32, #tpu.memory_space<vmem>>, vector<16xf32>,
      %parallel_loop3A_416 = vector.shape_cast %parallel_loop3A_415 : vector<16xf32> to vector<16xf32>
      %parallel_loop3A_417 = arith.constant -1.000000e+00 : f32
      %parallel_loop3A_418 = vector.broadcast %parallel_loop3A_417 : f32 to vector<16xf32>
      %parallel_loop3A_419 = arith.mulf %parallel_loop3A_416, %parallel_loop3A_418 : vector<16xf32>
      %parallel_loop3A_420 = math.exp %parallel_loop3A_419 : vector<16xf32>
      %parallel_loop3A_421 = arith.constant 1.000000e+00 : f32
      %parallel_loop3A_422 = vector.broadcast %parallel_loop3A_421 : f32 to vector<16xf32>
      %parallel_loop3A_423 = arith.addf %parallel_loop3A_422, %parallel_loop3A_420 : vector<16xf32>
      %parallel_loop3A_424 = arith.constant 1.000000e+00 : f32
      %parallel_loop3A_425 = vector.broadcast %parallel_loop3A_424 : f32 to vector<16xf32>
      %parallel_loop3A_426 = arith.divf %parallel_loop3A_425, %parallel_loop3A_423 : vector<16xf32>
      %parallel_loop3A_427 = arith.addf %parallel_loop3A_365, %parallel_loop3A_426 : vector<16xf32>
      %parallel_loop3A_428 = arith.constant 0 : i32
      %parallel_loop3A_429 = vector.broadcast %parallel_loop3A_428 : i32 to vector<16xi32>
      %parallel_loop3A_430 = arith.cmpi ne, %parallel_loop3A_411, %parallel_loop3A_429 : vector<16xi32>
      %parallel_loop3A_431 = arith.constant 0.000000e+00 : f32
      %parallel_loop3A_432 = vector.broadcast %parallel_loop3A_431 : f32 to vector<16xf32>
      %parallel_loop3A_433 = arith.select %parallel_loop3A_430, %parallel_loop3A_426, %parallel_loop3A_432 : vector<16xi1>, vector<16xf32>
      %parallel_loop3A_434 = arith.addf %parallel_loop3A_372, %parallel_loop3A_433 : vector<16xf32>
      %parallel_loop3A_435 = arith.addi %parallel_loop3A_373, %parallel_loop3A_411 : vector<16xi32>
      scf.yield %parallel_loop3A_396, %parallel_loop3A_403, %parallel_loop3A_404, %parallel_loop3A_427, %parallel_loop3A_434, %parallel_loop3A_435 : vector<16xf32>, vector<16xf32>, vector<16xi32>, vector<16xf32>, vector<16xf32>, vector<16xi32>
    } {sc.loop_unroll_factor = 1 : i64, sc.parallel_access}
    %dma_wait3A_73 = arith.constant 16384 : i32
    %dma_wait3A_74 = tpu.memref_slice %arg5[%dma_wait3A_73] : memref<49152xf32, #tpu.memory_space<vmem>> -> memref<16384xf32, #tpu.memory_space<vmem>>
    %dma_wait3A_75 = arith.constant 16384 : i32
    %dma_wait3A_76 = tpu.memref_slice %arg2[%add3A_25, %dma_wait3A_75] : memref<128x32768xf32, #tpu.memory_space<hbm>> -> memref<1x16384xf32, #tpu.memory_space<hbm>>
    %dma_wait3A_77 = tpu.memref_squeeze %dma_wait3A_76 : memref<1x16384xf32, #tpu.memory_space<hbm>> -> memref<16384xf32, #tpu.memory_space<hbm>>
    %dma_wait3A_78 = arith.constant 16384 : i32
    %dma_wait3A_79 = tpu.memref_slice %arg5[%dma_wait3A_78] : memref<49152xf32, #tpu.memory_space<vmem>> -> memref<16384xf32, #tpu.memory_space<vmem>>
    %dma_wait3A_80 = arith.constant 16384 : i32
    %dma_wait3A_81 = tpu.memref_slice %arg2[%add3A_25, %dma_wait3A_80] : memref<128x32768xf32, #tpu.memory_space<hbm>> -> memref<1x16384xf32, #tpu.memory_space<hbm>>
    %dma_wait3A_82 = tpu.memref_squeeze %dma_wait3A_81 : memref<1x16384xf32, #tpu.memory_space<hbm>> -> memref<16384xf32, #tpu.memory_space<hbm>>
    tpu.wait_dma2 semaphore(%arg9 : memref<!tpu.dma_semaphore, #tpu.memory_space<semaphore_mem>>) src(%dma_wait3A_82 : memref<16384xf32, #tpu.memory_space<hbm>>) dst(%dma_wait3A_79 : memref<16384xf32, #tpu.memory_space<vmem>>)
    %dma_wait3A_83 = arith.constant 16384 : i32
    %dma_wait3A_84 = tpu.memref_slice %arg6[%dma_wait3A_83] : memref<49152xi32, #tpu.memory_space<vmem>> -> memref<16384xi32, #tpu.memory_space<vmem>>
    %dma_wait3A_85 = arith.constant 16384 : i32
    %dma_wait3A_86 = tpu.memref_slice %arg3[%add3A_25, %dma_wait3A_85] : memref<128x32768xi32, #tpu.memory_space<hbm>> -> memref<1x16384xi32, #tpu.memory_space<hbm>>
    %dma_wait3A_87 = tpu.memref_squeeze %dma_wait3A_86 : memref<1x16384xi32, #tpu.memory_space<hbm>> -> memref<16384xi32, #tpu.memory_space<hbm>>
    %dma_wait3A_88 = arith.constant 16384 : i32
    %dma_wait3A_89 = tpu.memref_slice %arg6[%dma_wait3A_88] : memref<49152xi32, #tpu.memory_space<vmem>> -> memref<16384xi32, #tpu.memory_space<vmem>>
    %dma_wait3A_90 = arith.constant 16384 : i32
    %dma_wait3A_91 = tpu.memref_slice %arg3[%add3A_25, %dma_wait3A_90] : memref<128x32768xi32, #tpu.memory_space<hbm>> -> memref<1x16384xi32, #tpu.memory_space<hbm>>
    %dma_wait3A_92 = tpu.memref_squeeze %dma_wait3A_91 : memref<1x16384xi32, #tpu.memory_space<hbm>> -> memref<16384xi32, #tpu.memory_space<hbm>>
    tpu.wait_dma2 semaphore(%arg9 : memref<!tpu.dma_semaphore, #tpu.memory_space<semaphore_mem>>) src(%dma_wait3A_92 : memref<16384xi32, #tpu.memory_space<hbm>>) dst(%dma_wait3A_89 : memref<16384xi32, #tpu.memory_space<vmem>>)
    %add3A_93 = arith.constant 1 : i32
    %add3A_94 = arith.addi %mul3A_2, %add3A_93 : i32
    %parallel_loop3A_95 = arith.constant 0 : i32
    %parallel_loop3A_96 = arith.constant 16384 : i32
    %parallel_loop3A_97 = arith.constant 128 : i32
    %parallel_loop3A_98:6 = scf.for %parallel_loop3A_161 = %parallel_loop3A_95 to %parallel_loop3A_96 step %parallel_loop3A_97 iter_args(%parallel_loop3A_162 = %parallel_loop3A_72#0, %parallel_loop3A_163 = %parallel_loop3A_72#1, %parallel_loop3A_164 = %parallel_loop3A_72#2, %parallel_loop3A_165 = %parallel_loop3A_72#3, %parallel_loop3A_166 = %parallel_loop3A_72#4, %parallel_loop3A_167 = %parallel_loop3A_72#5) -> (vector<16xf32>, vector<16xf32>, vector<16xi32>, vector<16xf32>, vector<16xf32>, vector<16xi32>)  : i32 {
      %parallel_loop3A_168 = arith.constant 16384 : i32
      %parallel_loop3A_169 = arith.addi %parallel_loop3A_168, %parallel_loop3A_161 : i32
      %parallel_loop3A_170 = arith.constant 0 : i32
      %parallel_loop3A_171 = arith.addi %parallel_loop3A_170, %parallel_loop3A_161 : i32
      %parallel_loop3A_172 = tpu.memref_slice %arg5[%parallel_loop3A_171] : memref<49152xf32, #tpu.memory_space<vmem>> -> memref<128xf32, #tpu.memory_space<vmem>>
      %parallel_loop3A_173 = tpu.memref_slice %arg2[%add3A_94, %parallel_loop3A_169] : memref<128x32768xf32, #tpu.memory_space<hbm>> -> memref<1x128xf32, #tpu.memory_space<hbm>>
      %parallel_loop3A_174 = tpu.memref_squeeze %parallel_loop3A_173 : memref<1x128xf32, #tpu.memory_space<hbm>> -> memref<128xf32, #tpu.memory_space<hbm>>
      %parallel_loop3A_175 = tpu.memref_slice %arg5[%parallel_loop3A_171] : memref<49152xf32, #tpu.memory_space<vmem>> -> memref<128xf32, #tpu.memory_space<vmem>>
      %parallel_loop3A_176 = tpu.memref_slice %arg2[%add3A_94, %parallel_loop3A_169] : memref<128x32768xf32, #tpu.memory_space<hbm>> -> memref<1x128xf32, #tpu.memory_space<hbm>>
      %parallel_loop3A_177 = tpu.memref_squeeze %parallel_loop3A_176 : memref<1x128xf32, #tpu.memory_space<hbm>> -> memref<128xf32, #tpu.memory_space<hbm>>
      tpu.enqueue_dma source(%parallel_loop3A_177 : memref<128xf32, #tpu.memory_space<hbm>>) target(%parallel_loop3A_175 : memref<128xf32, #tpu.memory_space<vmem>>) target_semaphore(%arg8 : memref<!tpu.dma_semaphore, #tpu.memory_space<semaphore_mem>>)
      %parallel_loop3A_178 = arith.constant 16384 : i32
      %parallel_loop3A_179 = arith.addi %parallel_loop3A_178, %parallel_loop3A_161 : i32
      %parallel_loop3A_180 = arith.constant 0 : i32
      %parallel_loop3A_181 = arith.addi %parallel_loop3A_180, %parallel_loop3A_161 : i32
      %parallel_loop3A_182 = tpu.memref_slice %arg6[%parallel_loop3A_181] : memref<49152xi32, #tpu.memory_space<vmem>> -> memref<128xi32, #tpu.memory_space<vmem>>
      %parallel_loop3A_183 = tpu.memref_slice %arg3[%add3A_94, %parallel_loop3A_179] : memref<128x32768xi32, #tpu.memory_space<hbm>> -> memref<1x128xi32, #tpu.memory_space<hbm>>
      %parallel_loop3A_184 = tpu.memref_squeeze %parallel_loop3A_183 : memref<1x128xi32, #tpu.memory_space<hbm>> -> memref<128xi32, #tpu.memory_space<hbm>>
      %parallel_loop3A_185 = tpu.memref_slice %arg6[%parallel_loop3A_181] : memref<49152xi32, #tpu.memory_space<vmem>> -> memref<128xi32, #tpu.memory_space<vmem>>
      %parallel_loop3A_186 = tpu.memref_slice %arg3[%add3A_94, %parallel_loop3A_179] : memref<128x32768xi32, #tpu.memory_space<hbm>> -> memref<1x128xi32, #tpu.memory_space<hbm>>
      %parallel_loop3A_187 = tpu.memref_squeeze %parallel_loop3A_186 : memref<1x128xi32, #tpu.memory_space<hbm>> -> memref<128xi32, #tpu.memory_space<hbm>>
      tpu.enqueue_dma source(%parallel_loop3A_187 : memref<128xi32, #tpu.memory_space<hbm>>) target(%parallel_loop3A_185 : memref<128xi32, #tpu.memory_space<vmem>>) target_semaphore(%arg8 : memref<!tpu.dma_semaphore, #tpu.memory_space<semaphore_mem>>)
      %parallel_loop3A_188 = arith.constant 0 : i32
      %parallel_loop3A_189 = arith.addi %parallel_loop3A_161, %parallel_loop3A_188 : i32
      %parallel_loop3A_190 = arith.constant 16384 : i32
      %parallel_loop3A_191 = tpu.memref_slice %arg6[%parallel_loop3A_190] : memref<49152xi32, #tpu.memory_space<vmem>> -> memref<16384xi32, #tpu.memory_space<vmem>>
      %parallel_loop3A_192 = arith.index_cast %parallel_loop3A_189 : i32 to index
      %parallel_loop3A_193 = tpu.vector_load %parallel_loop3A_191[%parallel_loop3A_192] {strides = array<i32>} : memref<16384xi32, #tpu.memory_space<vmem>>, vector<16xi32>,
      %parallel_loop3A_194 = vector.shape_cast %parallel_loop3A_193 : vector<16xi32> to vector<16xi32>
      %parallel_loop3A_195 = arith.constant 16384 : i32
      %parallel_loop3A_196 = tpu.memref_slice %arg5[%parallel_loop3A_195] : memref<49152xf32, #tpu.memory_space<vmem>> -> memref<16384xf32, #tpu.memory_space<vmem>>
      %parallel_loop3A_197 = arith.index_cast %parallel_loop3A_189 : i32 to index
      %parallel_loop3A_198 = tpu.vector_load %parallel_loop3A_196[%parallel_loop3A_197] {strides = array<i32>} : memref<16384xf32, #tpu.memory_space<vmem>>, vector<16xf32>,
      %parallel_loop3A_199 = vector.shape_cast %parallel_loop3A_198 : vector<16xf32> to vector<16xf32>
      %parallel_loop3A_200 = arith.constant -1.000000e+00 : f32
      %parallel_loop3A_201 = vector.broadcast %parallel_loop3A_200 : f32 to vector<16xf32>
      %parallel_loop3A_202 = arith.mulf %parallel_loop3A_199, %parallel_loop3A_201 : vector<16xf32>
      %parallel_loop3A_203 = math.exp %parallel_loop3A_202 : vector<16xf32>
      %parallel_loop3A_204 = arith.constant 1.000000e+00 : f32
      %parallel_loop3A_205 = vector.broadcast %parallel_loop3A_204 : f32 to vector<16xf32>
      %parallel_loop3A_206 = arith.addf %parallel_loop3A_205, %parallel_loop3A_203 : vector<16xf32>
      %parallel_loop3A_207 = arith.constant 1.000000e+00 : f32
      %parallel_loop3A_208 = vector.broadcast %parallel_loop3A_207 : f32 to vector<16xf32>
      %parallel_loop3A_209 = arith.divf %parallel_loop3A_208, %parallel_loop3A_206 : vector<16xf32>
      %parallel_loop3A_210 = arith.addf %parallel_loop3A_162, %parallel_loop3A_209 : vector<16xf32>
      %parallel_loop3A_211 = arith.constant 0 : i32
      %parallel_loop3A_212 = vector.broadcast %parallel_loop3A_211 : i32 to vector<16xi32>
      %parallel_loop3A_213 = arith.cmpi ne, %parallel_loop3A_194, %parallel_loop3A_212 : vector<16xi32>
      %parallel_loop3A_214 = arith.constant 0.000000e+00 : f32
      %parallel_loop3A_215 = vector.broadcast %parallel_loop3A_214 : f32 to vector<16xf32>
      %parallel_loop3A_216 = arith.select %parallel_loop3A_213, %parallel_loop3A_209, %parallel_loop3A_215 : vector<16xi1>, vector<16xf32>
      %parallel_loop3A_217 = arith.addf %parallel_loop3A_163, %parallel_loop3A_216 : vector<16xf32>
      %parallel_loop3A_218 = arith.addi %parallel_loop3A_164, %parallel_loop3A_194 : vector<16xi32>
      %parallel_loop3A_219 = arith.constant 16 : i32
      %parallel_loop3A_220 = arith.addi %parallel_loop3A_161, %parallel_loop3A_219 : i32
      %parallel_loop3A_221 = arith.constant 16384 : i32
      %parallel_loop3A_222 = tpu.memref_slice %arg6[%parallel_loop3A_221] : memref<49152xi32, #tpu.memory_space<vmem>> -> memref<16384xi32, #tpu.memory_space<vmem>>
      %parallel_loop3A_223 = arith.index_cast %parallel_loop3A_220 : i32 to index
      %parallel_loop3A_224 = tpu.vector_load %parallel_loop3A_222[%parallel_loop3A_223] {strides = array<i32>} : memref<16384xi32, #tpu.memory_space<vmem>>, vector<16xi32>,
      %parallel_loop3A_225 = vector.shape_cast %parallel_loop3A_224 : vector<16xi32> to vector<16xi32>
      %parallel_loop3A_226 = arith.constant 16384 : i32
      %parallel_loop3A_227 = tpu.memref_slice %arg5[%parallel_loop3A_226] : memref<49152xf32, #tpu.memory_space<vmem>> -> memref<16384xf32, #tpu.memory_space<vmem>>
      %parallel_loop3A_228 = arith.index_cast %parallel_loop3A_220 : i32 to index
      %parallel_loop3A_229 = tpu.vector_load %parallel_loop3A_227[%parallel_loop3A_228] {strides = array<i32>} : memref<16384xf32, #tpu.memory_space<vmem>>, vector<16xf32>,
      %parallel_loop3A_230 = vector.shape_cast %parallel_loop3A_229 : vector<16xf32> to vector<16xf32>
      %parallel_loop3A_231 = arith.constant -1.000000e+00 : f32
      %parallel_loop3A_232 = vector.broadcast %parallel_loop3A_231 : f32 to vector<16xf32>
      %parallel_loop3A_233 = arith.mulf %parallel_loop3A_230, %parallel_loop3A_232 : vector<16xf32>
      %parallel_loop3A_234 = math.exp %parallel_loop3A_233 : vector<16xf32>
      %parallel_loop3A_235 = arith.constant 1.000000e+00 : f32
      %parallel_loop3A_236 = vector.broadcast %parallel_loop3A_235 : f32 to vector<16xf32>
      %parallel_loop3A_237 = arith.addf %parallel_loop3A_236, %parallel_loop3A_234 : vector<16xf32>
      %parallel_loop3A_238 = arith.constant 1.000000e+00 : f32
      %parallel_loop3A_239 = vector.broadcast %parallel_loop3A_238 : f32 to vector<16xf32>
      %parallel_loop3A_240 = arith.divf %parallel_loop3A_239, %parallel_loop3A_237 : vector<16xf32>
      %parallel_loop3A_241 = arith.addf %parallel_loop3A_165, %parallel_loop3A_240 : vector<16xf32>
      %parallel_loop3A_242 = arith.constant 0 : i32
      %parallel_loop3A_243 = vector.broadcast %parallel_loop3A_242 : i32 to vector<16xi32>
      %parallel_loop3A_244 = arith.cmpi ne, %parallel_loop3A_225, %parallel_loop3A_243 : vector<16xi32>
      %parallel_loop3A_245 = arith.constant 0.000000e+00 : f32
      %parallel_loop3A_246 = vector.broadcast %parallel_loop3A_245 : f32 to vector<16xf32>
      %parallel_loop3A_247 = arith.select %parallel_loop3A_244, %parallel_loop3A_240, %parallel_loop3A_246 : vector<16xi1>, vector<16xf32>
      %parallel_loop3A_248 = arith.addf %parallel_loop3A_166, %parallel_loop3A_247 : vector<16xf32>
      %parallel_loop3A_249 = arith.addi %parallel_loop3A_167, %parallel_loop3A_225 : vector<16xi32>
      %parallel_loop3A_250 = arith.constant 32 : i32
      %parallel_loop3A_251 = arith.addi %parallel_loop3A_161, %parallel_loop3A_250 : i32
      %parallel_loop3A_252 = arith.constant 16384 : i32
      %parallel_loop3A_253 = tpu.memref_slice %arg6[%parallel_loop3A_252] : memref<49152xi32, #tpu.memory_space<vmem>> -> memref<16384xi32, #tpu.memory_space<vmem>>
      %parallel_loop3A_254 = arith.index_cast %parallel_loop3A_251 : i32 to index
      %parallel_loop3A_255 = tpu.vector_load %parallel_loop3A_253[%parallel_loop3A_254] {strides = array<i32>} : memref<16384xi32, #tpu.memory_space<vmem>>, vector<16xi32>,
      %parallel_loop3A_256 = vector.shape_cast %parallel_loop3A_255 : vector<16xi32> to vector<16xi32>
      %parallel_loop3A_257 = arith.constant 16384 : i32
      %parallel_loop3A_258 = tpu.memref_slice %arg5[%parallel_loop3A_257] : memref<49152xf32, #tpu.memory_space<vmem>> -> memref<16384xf32, #tpu.memory_space<vmem>>
      %parallel_loop3A_259 = arith.index_cast %parallel_loop3A_251 : i32 to index
      %parallel_loop3A_260 = tpu.vector_load %parallel_loop3A_258[%parallel_loop3A_259] {strides = array<i32>} : memref<16384xf32, #tpu.memory_space<vmem>>, vector<16xf32>,
      %parallel_loop3A_261 = vector.shape_cast %parallel_loop3A_260 : vector<16xf32> to vector<16xf32>
      %parallel_loop3A_262 = arith.constant -1.000000e+00 : f32
      %parallel_loop3A_263 = vector.broadcast %parallel_loop3A_262 : f32 to vector<16xf32>
      %parallel_loop3A_264 = arith.mulf %parallel_loop3A_261, %parallel_loop3A_263 : vector<16xf32>
      %parallel_loop3A_265 = math.exp %parallel_loop3A_264 : vector<16xf32>
      %parallel_loop3A_266 = arith.constant 1.000000e+00 : f32
      %parallel_loop3A_267 = vector.broadcast %parallel_loop3A_266 : f32 to vector<16xf32>
      %parallel_loop3A_268 = arith.addf %parallel_loop3A_267, %parallel_loop3A_265 : vector<16xf32>
      %parallel_loop3A_269 = arith.constant 1.000000e+00 : f32
      %parallel_loop3A_270 = vector.broadcast %parallel_loop3A_269 : f32 to vector<16xf32>
      %parallel_loop3A_271 = arith.divf %parallel_loop3A_270, %parallel_loop3A_268 : vector<16xf32>
      %parallel_loop3A_272 = arith.addf %parallel_loop3A_210, %parallel_loop3A_271 : vector<16xf32>
      %parallel_loop3A_273 = arith.constant 0 : i32
      %parallel_loop3A_274 = vector.broadcast %parallel_loop3A_273 : i32 to vector<16xi32>
      %parallel_loop3A_275 = arith.cmpi ne, %parallel_loop3A_256, %parallel_loop3A_274 : vector<16xi32>
      %parallel_loop3A_276 = arith.constant 0.000000e+00 : f32
      %parallel_loop3A_277 = vector.broadcast %parallel_loop3A_276 : f32 to vector<16xf32>
      %parallel_loop3A_278 = arith.select %parallel_loop3A_275, %parallel_loop3A_271, %parallel_loop3A_277 : vector<16xi1>, vector<16xf32>
      %parallel_loop3A_279 = arith.addf %parallel_loop3A_217, %parallel_loop3A_278 : vector<16xf32>
      %parallel_loop3A_280 = arith.addi %parallel_loop3A_218, %parallel_loop3A_256 : vector<16xi32>
      %parallel_loop3A_281 = arith.constant 48 : i32
      %parallel_loop3A_282 = arith.addi %parallel_loop3A_161, %parallel_loop3A_281 : i32
      %parallel_loop3A_283 = arith.constant 16384 : i32
      %parallel_loop3A_284 = tpu.memref_slice %arg6[%parallel_loop3A_283] : memref<49152xi32, #tpu.memory_space<vmem>> -> memref<16384xi32, #tpu.memory_space<vmem>>
      %parallel_loop3A_285 = arith.index_cast %parallel_loop3A_282 : i32 to index
      %parallel_loop3A_286 = tpu.vector_load %parallel_loop3A_284[%parallel_loop3A_285] {strides = array<i32>} : memref<16384xi32, #tpu.memory_space<vmem>>, vector<16xi32>,
      %parallel_loop3A_287 = vector.shape_cast %parallel_loop3A_286 : vector<16xi32> to vector<16xi32>
      %parallel_loop3A_288 = arith.constant 16384 : i32
      %parallel_loop3A_289 = tpu.memref_slice %arg5[%parallel_loop3A_288] : memref<49152xf32, #tpu.memory_space<vmem>> -> memref<16384xf32, #tpu.memory_space<vmem>>
      %parallel_loop3A_290 = arith.index_cast %parallel_loop3A_282 : i32 to index
      %parallel_loop3A_291 = tpu.vector_load %parallel_loop3A_289[%parallel_loop3A_290] {strides = array<i32>} : memref<16384xf32, #tpu.memory_space<vmem>>, vector<16xf32>,
      %parallel_loop3A_292 = vector.shape_cast %parallel_loop3A_291 : vector<16xf32> to vector<16xf32>
      %parallel_loop3A_293 = arith.constant -1.000000e+00 : f32
      %parallel_loop3A_294 = vector.broadcast %parallel_loop3A_293 : f32 to vector<16xf32>
      %parallel_loop3A_295 = arith.mulf %parallel_loop3A_292, %parallel_loop3A_294 : vector<16xf32>
      %parallel_loop3A_296 = math.exp %parallel_loop3A_295 : vector<16xf32>
      %parallel_loop3A_297 = arith.constant 1.000000e+00 : f32
      %parallel_loop3A_298 = vector.broadcast %parallel_loop3A_297 : f32 to vector<16xf32>
      %parallel_loop3A_299 = arith.addf %parallel_loop3A_298, %parallel_loop3A_296 : vector<16xf32>
      %parallel_loop3A_300 = arith.constant 1.000000e+00 : f32
      %parallel_loop3A_301 = vector.broadcast %parallel_loop3A_300 : f32 to vector<16xf32>
      %parallel_loop3A_302 = arith.divf %parallel_loop3A_301, %parallel_loop3A_299 : vector<16xf32>
      %parallel_loop3A_303 = arith.addf %parallel_loop3A_241, %parallel_loop3A_302 : vector<16xf32>
      %parallel_loop3A_304 = arith.constant 0 : i32
      %parallel_loop3A_305 = vector.broadcast %parallel_loop3A_304 : i32 to vector<16xi32>
      %parallel_loop3A_306 = arith.cmpi ne, %parallel_loop3A_287, %parallel_loop3A_305 : vector<16xi32>
      %parallel_loop3A_307 = arith.constant 0.000000e+00 : f32
      %parallel_loop3A_308 = vector.broadcast %parallel_loop3A_307 : f32 to vector<16xf32>
      %parallel_loop3A_309 = arith.select %parallel_loop3A_306, %parallel_loop3A_302, %parallel_loop3A_308 : vector<16xi1>, vector<16xf32>
      %parallel_loop3A_310 = arith.addf %parallel_loop3A_248, %parallel_loop3A_309 : vector<16xf32>
      %parallel_loop3A_311 = arith.addi %parallel_loop3A_249, %parallel_loop3A_287 : vector<16xi32>
      %parallel_loop3A_312 = arith.constant 64 : i32
      %parallel_loop3A_313 = arith.addi %parallel_loop3A_161, %parallel_loop3A_312 : i32
      %parallel_loop3A_314 = arith.constant 16384 : i32
      %parallel_loop3A_315 = tpu.memref_slice %arg6[%parallel_loop3A_314] : memref<49152xi32, #tpu.memory_space<vmem>> -> memref<16384xi32, #tpu.memory_space<vmem>>
      %parallel_loop3A_316 = arith.index_cast %parallel_loop3A_313 : i32 to index
      %parallel_loop3A_317 = tpu.vector_load %parallel_loop3A_315[%parallel_loop3A_316] {strides = array<i32>} : memref<16384xi32, #tpu.memory_space<vmem>>, vector<16xi32>,
      %parallel_loop3A_318 = vector.shape_cast %parallel_loop3A_317 : vector<16xi32> to vector<16xi32>
      %parallel_loop3A_319 = arith.constant 16384 : i32
      %parallel_loop3A_320 = tpu.memref_slice %arg5[%parallel_loop3A_319] : memref<49152xf32, #tpu.memory_space<vmem>> -> memref<16384xf32, #tpu.memory_space<vmem>>
      %parallel_loop3A_321 = arith.index_cast %parallel_loop3A_313 : i32 to index
      %parallel_loop3A_322 = tpu.vector_load %parallel_loop3A_320[%parallel_loop3A_321] {strides = array<i32>} : memref<16384xf32, #tpu.memory_space<vmem>>, vector<16xf32>,
      %parallel_loop3A_323 = vector.shape_cast %parallel_loop3A_322 : vector<16xf32> to vector<16xf32>
      %parallel_loop3A_324 = arith.constant -1.000000e+00 : f32
      %parallel_loop3A_325 = vector.broadcast %parallel_loop3A_324 : f32 to vector<16xf32>
      %parallel_loop3A_326 = arith.mulf %parallel_loop3A_323, %parallel_loop3A_325 : vector<16xf32>
      %parallel_loop3A_327 = math.exp %parallel_loop3A_326 : vector<16xf32>
      %parallel_loop3A_328 = arith.constant 1.000000e+00 : f32
      %parallel_loop3A_329 = vector.broadcast %parallel_loop3A_328 : f32 to vector<16xf32>
      %parallel_loop3A_330 = arith.addf %parallel_loop3A_329, %parallel_loop3A_327 : vector<16xf32>
      %parallel_loop3A_331 = arith.constant 1.000000e+00 : f32
      %parallel_loop3A_332 = vector.broadcast %parallel_loop3A_331 : f32 to vector<16xf32>
      %parallel_loop3A_333 = arith.divf %parallel_loop3A_332, %parallel_loop3A_330 : vector<16xf32>
      %parallel_loop3A_334 = arith.addf %parallel_loop3A_272, %parallel_loop3A_333 : vector<16xf32>
      %parallel_loop3A_335 = arith.constant 0 : i32
      %parallel_loop3A_336 = vector.broadcast %parallel_loop3A_335 : i32 to vector<16xi32>
      %parallel_loop3A_337 = arith.cmpi ne, %parallel_loop3A_318, %parallel_loop3A_336 : vector<16xi32>
      %parallel_loop3A_338 = arith.constant 0.000000e+00 : f32
      %parallel_loop3A_339 = vector.broadcast %parallel_loop3A_338 : f32 to vector<16xf32>
      %parallel_loop3A_340 = arith.select %parallel_loop3A_337, %parallel_loop3A_333, %parallel_loop3A_339 : vector<16xi1>, vector<16xf32>
      %parallel_loop3A_341 = arith.addf %parallel_loop3A_279, %parallel_loop3A_340 : vector<16xf32>
      %parallel_loop3A_342 = arith.addi %parallel_loop3A_280, %parallel_loop3A_318 : vector<16xi32>
      %parallel_loop3A_343 = arith.constant 80 : i32
      %parallel_loop3A_344 = arith.addi %parallel_loop3A_161, %parallel_loop3A_343 : i32
      %parallel_loop3A_345 = arith.constant 16384 : i32
      %parallel_loop3A_346 = tpu.memref_slice %arg6[%parallel_loop3A_345] : memref<49152xi32, #tpu.memory_space<vmem>> -> memref<16384xi32, #tpu.memory_space<vmem>>
      %parallel_loop3A_347 = arith.index_cast %parallel_loop3A_344 : i32 to index
      %parallel_loop3A_348 = tpu.vector_load %parallel_loop3A_346[%parallel_loop3A_347] {strides = array<i32>} : memref<16384xi32, #tpu.memory_space<vmem>>, vector<16xi32>,
      %parallel_loop3A_349 = vector.shape_cast %parallel_loop3A_348 : vector<16xi32> to vector<16xi32>
      %parallel_loop3A_350 = arith.constant 16384 : i32
      %parallel_loop3A_351 = tpu.memref_slice %arg5[%parallel_loop3A_350] : memref<49152xf32, #tpu.memory_space<vmem>> -> memref<16384xf32, #tpu.memory_space<vmem>>
      %parallel_loop3A_352 = arith.index_cast %parallel_loop3A_344 : i32 to index
      %parallel_loop3A_353 = tpu.vector_load %parallel_loop3A_351[%parallel_loop3A_352] {strides = array<i32>} : memref<16384xf32, #tpu.memory_space<vmem>>, vector<16xf32>,
      %parallel_loop3A_354 = vector.shape_cast %parallel_loop3A_353 : vector<16xf32> to vector<16xf32>
      %parallel_loop3A_355 = arith.constant -1.000000e+00 : f32
      %parallel_loop3A_356 = vector.broadcast %parallel_loop3A_355 : f32 to vector<16xf32>
      %parallel_loop3A_357 = arith.mulf %parallel_loop3A_354, %parallel_loop3A_356 : vector<16xf32>
      %parallel_loop3A_358 = math.exp %parallel_loop3A_357 : vector<16xf32>
      %parallel_loop3A_359 = arith.constant 1.000000e+00 : f32
      %parallel_loop3A_360 = vector.broadcast %parallel_loop3A_359 : f32 to vector<16xf32>
      %parallel_loop3A_361 = arith.addf %parallel_loop3A_360, %parallel_loop3A_358 : vector<16xf32>
      %parallel_loop3A_362 = arith.constant 1.000000e+00 : f32
      %parallel_loop3A_363 = vector.broadcast %parallel_loop3A_362 : f32 to vector<16xf32>
      %parallel_loop3A_364 = arith.divf %parallel_loop3A_363, %parallel_loop3A_361 : vector<16xf32>
      %parallel_loop3A_365 = arith.addf %parallel_loop3A_303, %parallel_loop3A_364 : vector<16xf32>
      %parallel_loop3A_366 = arith.constant 0 : i32
      %parallel_loop3A_367 = vector.broadcast %parallel_loop3A_366 : i32 to vector<16xi32>
      %parallel_loop3A_368 = arith.cmpi ne, %parallel_loop3A_349, %parallel_loop3A_367 : vector<16xi32>
      %parallel_loop3A_369 = arith.constant 0.000000e+00 : f32
      %parallel_loop3A_370 = vector.broadcast %parallel_loop3A_369 : f32 to vector<16xf32>
      %parallel_loop3A_371 = arith.select %parallel_loop3A_368, %parallel_loop3A_364, %parallel_loop3A_370 : vector<16xi1>, vector<16xf32>
      %parallel_loop3A_372 = arith.addf %parallel_loop3A_310, %parallel_loop3A_371 : vector<16xf32>
      %parallel_loop3A_373 = arith.addi %parallel_loop3A_311, %parallel_loop3A_349 : vector<16xi32>
      %parallel_loop3A_374 = arith.constant 96 : i32
      %parallel_loop3A_375 = arith.addi %parallel_loop3A_161, %parallel_loop3A_374 : i32
      %parallel_loop3A_376 = arith.constant 16384 : i32
      %parallel_loop3A_377 = tpu.memref_slice %arg6[%parallel_loop3A_376] : memref<49152xi32, #tpu.memory_space<vmem>> -> memref<16384xi32, #tpu.memory_space<vmem>>
      %parallel_loop3A_378 = arith.index_cast %parallel_loop3A_375 : i32 to index
      %parallel_loop3A_379 = tpu.vector_load %parallel_loop3A_377[%parallel_loop3A_378] {strides = array<i32>} : memref<16384xi32, #tpu.memory_space<vmem>>, vector<16xi32>,
      %parallel_loop3A_380 = vector.shape_cast %parallel_loop3A_379 : vector<16xi32> to vector<16xi32>
      %parallel_loop3A_381 = arith.constant 16384 : i32
      %parallel_loop3A_382 = tpu.memref_slice %arg5[%parallel_loop3A_381] : memref<49152xf32, #tpu.memory_space<vmem>> -> memref<16384xf32, #tpu.memory_space<vmem>>
      %parallel_loop3A_383 = arith.index_cast %parallel_loop3A_375 : i32 to index
      %parallel_loop3A_384 = tpu.vector_load %parallel_loop3A_382[%parallel_loop3A_383] {strides = array<i32>} : memref<16384xf32, #tpu.memory_space<vmem>>, vector<16xf32>,
      %parallel_loop3A_385 = vector.shape_cast %parallel_loop3A_384 : vector<16xf32> to vector<16xf32>
      %parallel_loop3A_386 = arith.constant -1.000000e+00 : f32
      %parallel_loop3A_387 = vector.broadcast %parallel_loop3A_386 : f32 to vector<16xf32>
      %parallel_loop3A_388 = arith.mulf %parallel_loop3A_385, %parallel_loop3A_387 : vector<16xf32>
      %parallel_loop3A_389 = math.exp %parallel_loop3A_388 : vector<16xf32>
      %parallel_loop3A_390 = arith.constant 1.000000e+00 : f32
      %parallel_loop3A_391 = vector.broadcast %parallel_loop3A_390 : f32 to vector<16xf32>
      %parallel_loop3A_392 = arith.addf %parallel_loop3A_391, %parallel_loop3A_389 : vector<16xf32>
      %parallel_loop3A_393 = arith.constant 1.000000e+00 : f32
      %parallel_loop3A_394 = vector.broadcast %parallel_loop3A_393 : f32 to vector<16xf32>
      %parallel_loop3A_395 = arith.divf %parallel_loop3A_394, %parallel_loop3A_392 : vector<16xf32>
      %parallel_loop3A_396 = arith.addf %parallel_loop3A_334, %parallel_loop3A_395 : vector<16xf32>
      %parallel_loop3A_397 = arith.constant 0 : i32
      %parallel_loop3A_398 = vector.broadcast %parallel_loop3A_397 : i32 to vector<16xi32>
      %parallel_loop3A_399 = arith.cmpi ne, %parallel_loop3A_380, %parallel_loop3A_398 : vector<16xi32>
      %parallel_loop3A_400 = arith.constant 0.000000e+00 : f32
      %parallel_loop3A_401 = vector.broadcast %parallel_loop3A_400 : f32 to vector<16xf32>
      %parallel_loop3A_402 = arith.select %parallel_loop3A_399, %parallel_loop3A_395, %parallel_loop3A_401 : vector<16xi1>, vector<16xf32>
      %parallel_loop3A_403 = arith.addf %parallel_loop3A_341, %parallel_loop3A_402 : vector<16xf32>
      %parallel_loop3A_404 = arith.addi %parallel_loop3A_342, %parallel_loop3A_380 : vector<16xi32>
      %parallel_loop3A_405 = arith.constant 112 : i32
      %parallel_loop3A_406 = arith.addi %parallel_loop3A_161, %parallel_loop3A_405 : i32
      %parallel_loop3A_407 = arith.constant 16384 : i32
      %parallel_loop3A_408 = tpu.memref_slice %arg6[%parallel_loop3A_407] : memref<49152xi32, #tpu.memory_space<vmem>> -> memref<16384xi32, #tpu.memory_space<vmem>>
      %parallel_loop3A_409 = arith.index_cast %parallel_loop3A_406 : i32 to index
      %parallel_loop3A_410 = tpu.vector_load %parallel_loop3A_408[%parallel_loop3A_409] {strides = array<i32>} : memref<16384xi32, #tpu.memory_space<vmem>>, vector<16xi32>,
      %parallel_loop3A_411 = vector.shape_cast %parallel_loop3A_410 : vector<16xi32> to vector<16xi32>
      %parallel_loop3A_412 = arith.constant 16384 : i32
      %parallel_loop3A_413 = tpu.memref_slice %arg5[%parallel_loop3A_412] : memref<49152xf32, #tpu.memory_space<vmem>> -> memref<16384xf32, #tpu.memory_space<vmem>>
      %parallel_loop3A_414 = arith.index_cast %parallel_loop3A_406 : i32 to index
      %parallel_loop3A_415 = tpu.vector_load %parallel_loop3A_413[%parallel_loop3A_414] {strides = array<i32>} : memref<16384xf32, #tpu.memory_space<vmem>>, vector<16xf32>,
      %parallel_loop3A_416 = vector.shape_cast %parallel_loop3A_415 : vector<16xf32> to vector<16xf32>
      %parallel_loop3A_417 = arith.constant -1.000000e+00 : f32
      %parallel_loop3A_418 = vector.broadcast %parallel_loop3A_417 : f32 to vector<16xf32>
      %parallel_loop3A_419 = arith.mulf %parallel_loop3A_416, %parallel_loop3A_418 : vector<16xf32>
      %parallel_loop3A_420 = math.exp %parallel_loop3A_419 : vector<16xf32>
      %parallel_loop3A_421 = arith.constant 1.000000e+00 : f32
      %parallel_loop3A_422 = vector.broadcast %parallel_loop3A_421 : f32 to vector<16xf32>
      %parallel_loop3A_423 = arith.addf %parallel_loop3A_422, %parallel_loop3A_420 : vector<16xf32>
      %parallel_loop3A_424 = arith.constant 1.000000e+00 : f32
      %parallel_loop3A_425 = vector.broadcast %parallel_loop3A_424 : f32 to vector<16xf32>
      %parallel_loop3A_426 = arith.divf %parallel_loop3A_425, %parallel_loop3A_423 : vector<16xf32>
      %parallel_loop3A_427 = arith.addf %parallel_loop3A_365, %parallel_loop3A_426 : vector<16xf32>
      %parallel_loop3A_428 = arith.constant 0 : i32
      %parallel_loop3A_429 = vector.broadcast %parallel_loop3A_428 : i32 to vector<16xi32>
      %parallel_loop3A_430 = arith.cmpi ne, %parallel_loop3A_411, %parallel_loop3A_429 : vector<16xi32>
      %parallel_loop3A_431 = arith.constant 0.000000e+00 : f32
      %parallel_loop3A_432 = vector.broadcast %parallel_loop3A_431 : f32 to vector<16xf32>
      %parallel_loop3A_433 = arith.select %parallel_loop3A_430, %parallel_loop3A_426, %parallel_loop3A_432 : vector<16xi1>, vector<16xf32>
      %parallel_loop3A_434 = arith.addf %parallel_loop3A_372, %parallel_loop3A_433 : vector<16xf32>
      %parallel_loop3A_435 = arith.addi %parallel_loop3A_373, %parallel_loop3A_411 : vector<16xi32>
      scf.yield %parallel_loop3A_396, %parallel_loop3A_403, %parallel_loop3A_404, %parallel_loop3A_427, %parallel_loop3A_434, %parallel_loop3A_435 : vector<16xf32>, vector<16xf32>, vector<16xi32>, vector<16xf32>, vector<16xf32>, vector<16xi32>
    } {sc.loop_unroll_factor = 1 : i64, sc.parallel_access}
    %dma_wait3A_99 = arith.constant 32768 : i32
    %dma_wait3A_100 = tpu.memref_slice %arg5[%dma_wait3A_99] : memref<49152xf32, #tpu.memory_space<vmem>> -> memref<16384xf32, #tpu.memory_space<vmem>>
    %dma_wait3A_101 = arith.constant 0 : i32
    %dma_wait3A_102 = tpu.memref_slice %arg2[%mul3A_2, %dma_wait3A_101] : memref<128x32768xf32, #tpu.memory_space<hbm>> -> memref<1x16384xf32, #tpu.memory_space<hbm>>
    %dma_wait3A_103 = tpu.memref_squeeze %dma_wait3A_102 : memref<1x16384xf32, #tpu.memory_space<hbm>> -> memref<16384xf32, #tpu.memory_space<hbm>>
    %dma_wait3A_104 = arith.constant 32768 : i32
    %dma_wait3A_105 = tpu.memref_slice %arg5[%dma_wait3A_104] : memref<49152xf32, #tpu.memory_space<vmem>> -> memref<16384xf32, #tpu.memory_space<vmem>>
    %dma_wait3A_106 = arith.constant 0 : i32
    %dma_wait3A_107 = tpu.memref_slice %arg2[%mul3A_2, %dma_wait3A_106] : memref<128x32768xf32, #tpu.memory_space<hbm>> -> memref<1x16384xf32, #tpu.memory_space<hbm>>
    %dma_wait3A_108 = tpu.memref_squeeze %dma_wait3A_107 : memref<1x16384xf32, #tpu.memory_space<hbm>> -> memref<16384xf32, #tpu.memory_space<hbm>>
    tpu.wait_dma2 semaphore(%arg10 : memref<!tpu.dma_semaphore, #tpu.memory_space<semaphore_mem>>) src(%dma_wait3A_108 : memref<16384xf32, #tpu.memory_space<hbm>>) dst(%dma_wait3A_105 : memref<16384xf32, #tpu.memory_space<vmem>>)
    %dma_wait3A_109 = arith.constant 32768 : i32
    %dma_wait3A_110 = tpu.memref_slice %arg6[%dma_wait3A_109] : memref<49152xi32, #tpu.memory_space<vmem>> -> memref<16384xi32, #tpu.memory_space<vmem>>
    %dma_wait3A_111 = arith.constant 0 : i32
    %dma_wait3A_112 = tpu.memref_slice %arg3[%mul3A_2, %dma_wait3A_111] : memref<128x32768xi32, #tpu.memory_space<hbm>> -> memref<1x16384xi32, #tpu.memory_space<hbm>>
    %dma_wait3A_113 = tpu.memref_squeeze %dma_wait3A_112 : memref<1x16384xi32, #tpu.memory_space<hbm>> -> memref<16384xi32, #tpu.memory_space<hbm>>
    %dma_wait3A_114 = arith.constant 32768 : i32
    %dma_wait3A_115 = tpu.memref_slice %arg6[%dma_wait3A_114] : memref<49152xi32, #tpu.memory_space<vmem>> -> memref<16384xi32, #tpu.memory_space<vmem>>
    %dma_wait3A_116 = arith.constant 0 : i32
    %dma_wait3A_117 = tpu.memref_slice %arg3[%mul3A_2, %dma_wait3A_116] : memref<128x32768xi32, #tpu.memory_space<hbm>> -> memref<1x16384xi32, #tpu.memory_space<hbm>>
    %dma_wait3A_118 = tpu.memref_squeeze %dma_wait3A_117 : memref<1x16384xi32, #tpu.memory_space<hbm>> -> memref<16384xi32, #tpu.memory_space<hbm>>
    tpu.wait_dma2 semaphore(%arg10 : memref<!tpu.dma_semaphore, #tpu.memory_space<semaphore_mem>>) src(%dma_wait3A_118 : memref<16384xi32, #tpu.memory_space<hbm>>) dst(%dma_wait3A_115 : memref<16384xi32, #tpu.memory_space<vmem>>)
    %parallel_loop3A_119 = arith.constant 0 : i32
    %parallel_loop3A_120 = arith.constant 16384 : i32
    %parallel_loop3A_121 = arith.constant 128 : i32
    %parallel_loop3A_122:6 = scf.for %parallel_loop3A_161 = %parallel_loop3A_119 to %parallel_loop3A_120 step %parallel_loop3A_121 iter_args(%parallel_loop3A_162 = %parallel_loop3A_98#0, %parallel_loop3A_163 = %parallel_loop3A_98#1, %parallel_loop3A_164 = %parallel_loop3A_98#2, %parallel_loop3A_165 = %parallel_loop3A_98#3, %parallel_loop3A_166 = %parallel_loop3A_98#4, %parallel_loop3A_167 = %parallel_loop3A_98#5) -> (vector<16xf32>, vector<16xf32>, vector<16xi32>, vector<16xf32>, vector<16xf32>, vector<16xi32>)  : i32 {
      %parallel_loop3A_168 = arith.constant 0 : i32
      %parallel_loop3A_169 = arith.addi %parallel_loop3A_161, %parallel_loop3A_168 : i32
      %parallel_loop3A_170 = arith.constant 32768 : i32
      %parallel_loop3A_171 = tpu.memref_slice %arg6[%parallel_loop3A_170] : memref<49152xi32, #tpu.memory_space<vmem>> -> memref<16384xi32, #tpu.memory_space<vmem>>
      %parallel_loop3A_172 = arith.index_cast %parallel_loop3A_169 : i32 to index
      %parallel_loop3A_173 = tpu.vector_load %parallel_loop3A_171[%parallel_loop3A_172] {strides = array<i32>} : memref<16384xi32, #tpu.memory_space<vmem>>, vector<16xi32>,
      %parallel_loop3A_174 = vector.shape_cast %parallel_loop3A_173 : vector<16xi32> to vector<16xi32>
      %parallel_loop3A_175 = arith.constant 32768 : i32
      %parallel_loop3A_176 = tpu.memref_slice %arg5[%parallel_loop3A_175] : memref<49152xf32, #tpu.memory_space<vmem>> -> memref<16384xf32, #tpu.memory_space<vmem>>
      %parallel_loop3A_177 = arith.index_cast %parallel_loop3A_169 : i32 to index
      %parallel_loop3A_178 = tpu.vector_load %parallel_loop3A_176[%parallel_loop3A_177] {strides = array<i32>} : memref<16384xf32, #tpu.memory_space<vmem>>, vector<16xf32>,
      %parallel_loop3A_179 = vector.shape_cast %parallel_loop3A_178 : vector<16xf32> to vector<16xf32>
      %parallel_loop3A_180 = arith.constant -1.000000e+00 : f32
      %parallel_loop3A_181 = vector.broadcast %parallel_loop3A_180 : f32 to vector<16xf32>
      %parallel_loop3A_182 = arith.mulf %parallel_loop3A_179, %parallel_loop3A_181 : vector<16xf32>
      %parallel_loop3A_183 = math.exp %parallel_loop3A_182 : vector<16xf32>
      %parallel_loop3A_184 = arith.constant 1.000000e+00 : f32
      %parallel_loop3A_185 = vector.broadcast %parallel_loop3A_184 : f32 to vector<16xf32>
      %parallel_loop3A_186 = arith.addf %parallel_loop3A_185, %parallel_loop3A_183 : vector<16xf32>
      %parallel_loop3A_187 = arith.constant 1.000000e+00 : f32
      %parallel_loop3A_188 = vector.broadcast %parallel_loop3A_187 : f32 to vector<16xf32>
      %parallel_loop3A_189 = arith.divf %parallel_loop3A_188, %parallel_loop3A_186 : vector<16xf32>
      %parallel_loop3A_190 = arith.addf %parallel_loop3A_162, %parallel_loop3A_189 : vector<16xf32>
      %parallel_loop3A_191 = arith.constant 0 : i32
      %parallel_loop3A_192 = vector.broadcast %parallel_loop3A_191 : i32 to vector<16xi32>
      %parallel_loop3A_193 = arith.cmpi ne, %parallel_loop3A_174, %parallel_loop3A_192 : vector<16xi32>
      %parallel_loop3A_194 = arith.constant 0.000000e+00 : f32
      %parallel_loop3A_195 = vector.broadcast %parallel_loop3A_194 : f32 to vector<16xf32>
      %parallel_loop3A_196 = arith.select %parallel_loop3A_193, %parallel_loop3A_189, %parallel_loop3A_195 : vector<16xi1>, vector<16xf32>
      %parallel_loop3A_197 = arith.addf %parallel_loop3A_163, %parallel_loop3A_196 : vector<16xf32>
      %parallel_loop3A_198 = arith.addi %parallel_loop3A_164, %parallel_loop3A_174 : vector<16xi32>
      %parallel_loop3A_199 = arith.constant 16 : i32
      %parallel_loop3A_200 = arith.addi %parallel_loop3A_161, %parallel_loop3A_199 : i32
      %parallel_loop3A_201 = arith.constant 32768 : i32
      %parallel_loop3A_202 = tpu.memref_slice %arg6[%parallel_loop3A_201] : memref<49152xi32, #tpu.memory_space<vmem>> -> memref<16384xi32, #tpu.memory_space<vmem>>
      %parallel_loop3A_203 = arith.index_cast %parallel_loop3A_200 : i32 to index
      %parallel_loop3A_204 = tpu.vector_load %parallel_loop3A_202[%parallel_loop3A_203] {strides = array<i32>} : memref<16384xi32, #tpu.memory_space<vmem>>, vector<16xi32>,
      %parallel_loop3A_205 = vector.shape_cast %parallel_loop3A_204 : vector<16xi32> to vector<16xi32>
      %parallel_loop3A_206 = arith.constant 32768 : i32
      %parallel_loop3A_207 = tpu.memref_slice %arg5[%parallel_loop3A_206] : memref<49152xf32, #tpu.memory_space<vmem>> -> memref<16384xf32, #tpu.memory_space<vmem>>
      %parallel_loop3A_208 = arith.index_cast %parallel_loop3A_200 : i32 to index
      %parallel_loop3A_209 = tpu.vector_load %parallel_loop3A_207[%parallel_loop3A_208] {strides = array<i32>} : memref<16384xf32, #tpu.memory_space<vmem>>, vector<16xf32>,
      %parallel_loop3A_210 = vector.shape_cast %parallel_loop3A_209 : vector<16xf32> to vector<16xf32>
      %parallel_loop3A_211 = arith.constant -1.000000e+00 : f32
      %parallel_loop3A_212 = vector.broadcast %parallel_loop3A_211 : f32 to vector<16xf32>
      %parallel_loop3A_213 = arith.mulf %parallel_loop3A_210, %parallel_loop3A_212 : vector<16xf32>
      %parallel_loop3A_214 = math.exp %parallel_loop3A_213 : vector<16xf32>
      %parallel_loop3A_215 = arith.constant 1.000000e+00 : f32
      %parallel_loop3A_216 = vector.broadcast %parallel_loop3A_215 : f32 to vector<16xf32>
      %parallel_loop3A_217 = arith.addf %parallel_loop3A_216, %parallel_loop3A_214 : vector<16xf32>
      %parallel_loop3A_218 = arith.constant 1.000000e+00 : f32
      %parallel_loop3A_219 = vector.broadcast %parallel_loop3A_218 : f32 to vector<16xf32>
      %parallel_loop3A_220 = arith.divf %parallel_loop3A_219, %parallel_loop3A_217 : vector<16xf32>
      %parallel_loop3A_221 = arith.addf %parallel_loop3A_165, %parallel_loop3A_220 : vector<16xf32>
      %parallel_loop3A_222 = arith.constant 0 : i32
      %parallel_loop3A_223 = vector.broadcast %parallel_loop3A_222 : i32 to vector<16xi32>
      %parallel_loop3A_224 = arith.cmpi ne, %parallel_loop3A_205, %parallel_loop3A_223 : vector<16xi32>
      %parallel_loop3A_225 = arith.constant 0.000000e+00 : f32
      %parallel_loop3A_226 = vector.broadcast %parallel_loop3A_225 : f32 to vector<16xf32>
      %parallel_loop3A_227 = arith.select %parallel_loop3A_224, %parallel_loop3A_220, %parallel_loop3A_226 : vector<16xi1>, vector<16xf32>
      %parallel_loop3A_228 = arith.addf %parallel_loop3A_166, %parallel_loop3A_227 : vector<16xf32>
      %parallel_loop3A_229 = arith.addi %parallel_loop3A_167, %parallel_loop3A_205 : vector<16xi32>
      %parallel_loop3A_230 = arith.constant 32 : i32
      %parallel_loop3A_231 = arith.addi %parallel_loop3A_161, %parallel_loop3A_230 : i32
      %parallel_loop3A_232 = arith.constant 32768 : i32
      %parallel_loop3A_233 = tpu.memref_slice %arg6[%parallel_loop3A_232] : memref<49152xi32, #tpu.memory_space<vmem>> -> memref<16384xi32, #tpu.memory_space<vmem>>
      %parallel_loop3A_234 = arith.index_cast %parallel_loop3A_231 : i32 to index
      %parallel_loop3A_235 = tpu.vector_load %parallel_loop3A_233[%parallel_loop3A_234] {strides = array<i32>} : memref<16384xi32, #tpu.memory_space<vmem>>, vector<16xi32>,
      %parallel_loop3A_236 = vector.shape_cast %parallel_loop3A_235 : vector<16xi32> to vector<16xi32>
      %parallel_loop3A_237 = arith.constant 32768 : i32
      %parallel_loop3A_238 = tpu.memref_slice %arg5[%parallel_loop3A_237] : memref<49152xf32, #tpu.memory_space<vmem>> -> memref<16384xf32, #tpu.memory_space<vmem>>
      %parallel_loop3A_239 = arith.index_cast %parallel_loop3A_231 : i32 to index
      %parallel_loop3A_240 = tpu.vector_load %parallel_loop3A_238[%parallel_loop3A_239] {strides = array<i32>} : memref<16384xf32, #tpu.memory_space<vmem>>, vector<16xf32>,
      %parallel_loop3A_241 = vector.shape_cast %parallel_loop3A_240 : vector<16xf32> to vector<16xf32>
      %parallel_loop3A_242 = arith.constant -1.000000e+00 : f32
      %parallel_loop3A_243 = vector.broadcast %parallel_loop3A_242 : f32 to vector<16xf32>
      %parallel_loop3A_244 = arith.mulf %parallel_loop3A_241, %parallel_loop3A_243 : vector<16xf32>
      %parallel_loop3A_245 = math.exp %parallel_loop3A_244 : vector<16xf32>
      %parallel_loop3A_246 = arith.constant 1.000000e+00 : f32
      %parallel_loop3A_247 = vector.broadcast %parallel_loop3A_246 : f32 to vector<16xf32>
      %parallel_loop3A_248 = arith.addf %parallel_loop3A_247, %parallel_loop3A_245 : vector<16xf32>
      %parallel_loop3A_249 = arith.constant 1.000000e+00 : f32
      %parallel_loop3A_250 = vector.broadcast %parallel_loop3A_249 : f32 to vector<16xf32>
      %parallel_loop3A_251 = arith.divf %parallel_loop3A_250, %parallel_loop3A_248 : vector<16xf32>
      %parallel_loop3A_252 = arith.addf %parallel_loop3A_190, %parallel_loop3A_251 : vector<16xf32>
      %parallel_loop3A_253 = arith.constant 0 : i32
      %parallel_loop3A_254 = vector.broadcast %parallel_loop3A_253 : i32 to vector<16xi32>
      %parallel_loop3A_255 = arith.cmpi ne, %parallel_loop3A_236, %parallel_loop3A_254 : vector<16xi32>
      %parallel_loop3A_256 = arith.constant 0.000000e+00 : f32
      %parallel_loop3A_257 = vector.broadcast %parallel_loop3A_256 : f32 to vector<16xf32>
      %parallel_loop3A_258 = arith.select %parallel_loop3A_255, %parallel_loop3A_251, %parallel_loop3A_257 : vector<16xi1>, vector<16xf32>
      %parallel_loop3A_259 = arith.addf %parallel_loop3A_197, %parallel_loop3A_258 : vector<16xf32>
      %parallel_loop3A_260 = arith.addi %parallel_loop3A_198, %parallel_loop3A_236 : vector<16xi32>
      %parallel_loop3A_261 = arith.constant 48 : i32
      %parallel_loop3A_262 = arith.addi %parallel_loop3A_161, %parallel_loop3A_261 : i32
      %parallel_loop3A_263 = arith.constant 32768 : i32
      %parallel_loop3A_264 = tpu.memref_slice %arg6[%parallel_loop3A_263] : memref<49152xi32, #tpu.memory_space<vmem>> -> memref<16384xi32, #tpu.memory_space<vmem>>
      %parallel_loop3A_265 = arith.index_cast %parallel_loop3A_262 : i32 to index
      %parallel_loop3A_266 = tpu.vector_load %parallel_loop3A_264[%parallel_loop3A_265] {strides = array<i32>} : memref<16384xi32, #tpu.memory_space<vmem>>, vector<16xi32>,
      %parallel_loop3A_267 = vector.shape_cast %parallel_loop3A_266 : vector<16xi32> to vector<16xi32>
      %parallel_loop3A_268 = arith.constant 32768 : i32
      %parallel_loop3A_269 = tpu.memref_slice %arg5[%parallel_loop3A_268] : memref<49152xf32, #tpu.memory_space<vmem>> -> memref<16384xf32, #tpu.memory_space<vmem>>
      %parallel_loop3A_270 = arith.index_cast %parallel_loop3A_262 : i32 to index
      %parallel_loop3A_271 = tpu.vector_load %parallel_loop3A_269[%parallel_loop3A_270] {strides = array<i32>} : memref<16384xf32, #tpu.memory_space<vmem>>, vector<16xf32>,
      %parallel_loop3A_272 = vector.shape_cast %parallel_loop3A_271 : vector<16xf32> to vector<16xf32>
      %parallel_loop3A_273 = arith.constant -1.000000e+00 : f32
      %parallel_loop3A_274 = vector.broadcast %parallel_loop3A_273 : f32 to vector<16xf32>
      %parallel_loop3A_275 = arith.mulf %parallel_loop3A_272, %parallel_loop3A_274 : vector<16xf32>
      %parallel_loop3A_276 = math.exp %parallel_loop3A_275 : vector<16xf32>
      %parallel_loop3A_277 = arith.constant 1.000000e+00 : f32
      %parallel_loop3A_278 = vector.broadcast %parallel_loop3A_277 : f32 to vector<16xf32>
      %parallel_loop3A_279 = arith.addf %parallel_loop3A_278, %parallel_loop3A_276 : vector<16xf32>
      %parallel_loop3A_280 = arith.constant 1.000000e+00 : f32
      %parallel_loop3A_281 = vector.broadcast %parallel_loop3A_280 : f32 to vector<16xf32>
      %parallel_loop3A_282 = arith.divf %parallel_loop3A_281, %parallel_loop3A_279 : vector<16xf32>
      %parallel_loop3A_283 = arith.addf %parallel_loop3A_221, %parallel_loop3A_282 : vector<16xf32>
      %parallel_loop3A_284 = arith.constant 0 : i32
      %parallel_loop3A_285 = vector.broadcast %parallel_loop3A_284 : i32 to vector<16xi32>
      %parallel_loop3A_286 = arith.cmpi ne, %parallel_loop3A_267, %parallel_loop3A_285 : vector<16xi32>
      %parallel_loop3A_287 = arith.constant 0.000000e+00 : f32
      %parallel_loop3A_288 = vector.broadcast %parallel_loop3A_287 : f32 to vector<16xf32>
      %parallel_loop3A_289 = arith.select %parallel_loop3A_286, %parallel_loop3A_282, %parallel_loop3A_288 : vector<16xi1>, vector<16xf32>
      %parallel_loop3A_290 = arith.addf %parallel_loop3A_228, %parallel_loop3A_289 : vector<16xf32>
      %parallel_loop3A_291 = arith.addi %parallel_loop3A_229, %parallel_loop3A_267 : vector<16xi32>
      %parallel_loop3A_292 = arith.constant 64 : i32
      %parallel_loop3A_293 = arith.addi %parallel_loop3A_161, %parallel_loop3A_292 : i32
      %parallel_loop3A_294 = arith.constant 32768 : i32
      %parallel_loop3A_295 = tpu.memref_slice %arg6[%parallel_loop3A_294] : memref<49152xi32, #tpu.memory_space<vmem>> -> memref<16384xi32, #tpu.memory_space<vmem>>
      %parallel_loop3A_296 = arith.index_cast %parallel_loop3A_293 : i32 to index
      %parallel_loop3A_297 = tpu.vector_load %parallel_loop3A_295[%parallel_loop3A_296] {strides = array<i32>} : memref<16384xi32, #tpu.memory_space<vmem>>, vector<16xi32>,
      %parallel_loop3A_298 = vector.shape_cast %parallel_loop3A_297 : vector<16xi32> to vector<16xi32>
      %parallel_loop3A_299 = arith.constant 32768 : i32
      %parallel_loop3A_300 = tpu.memref_slice %arg5[%parallel_loop3A_299] : memref<49152xf32, #tpu.memory_space<vmem>> -> memref<16384xf32, #tpu.memory_space<vmem>>
      %parallel_loop3A_301 = arith.index_cast %parallel_loop3A_293 : i32 to index
      %parallel_loop3A_302 = tpu.vector_load %parallel_loop3A_300[%parallel_loop3A_301] {strides = array<i32>} : memref<16384xf32, #tpu.memory_space<vmem>>, vector<16xf32>,
      %parallel_loop3A_303 = vector.shape_cast %parallel_loop3A_302 : vector<16xf32> to vector<16xf32>
      %parallel_loop3A_304 = arith.constant -1.000000e+00 : f32
      %parallel_loop3A_305 = vector.broadcast %parallel_loop3A_304 : f32 to vector<16xf32>
      %parallel_loop3A_306 = arith.mulf %parallel_loop3A_303, %parallel_loop3A_305 : vector<16xf32>
      %parallel_loop3A_307 = math.exp %parallel_loop3A_306 : vector<16xf32>
      %parallel_loop3A_308 = arith.constant 1.000000e+00 : f32
      %parallel_loop3A_309 = vector.broadcast %parallel_loop3A_308 : f32 to vector<16xf32>
      %parallel_loop3A_310 = arith.addf %parallel_loop3A_309, %parallel_loop3A_307 : vector<16xf32>
      %parallel_loop3A_311 = arith.constant 1.000000e+00 : f32
      %parallel_loop3A_312 = vector.broadcast %parallel_loop3A_311 : f32 to vector<16xf32>
      %parallel_loop3A_313 = arith.divf %parallel_loop3A_312, %parallel_loop3A_310 : vector<16xf32>
      %parallel_loop3A_314 = arith.addf %parallel_loop3A_252, %parallel_loop3A_313 : vector<16xf32>
      %parallel_loop3A_315 = arith.constant 0 : i32
      %parallel_loop3A_316 = vector.broadcast %parallel_loop3A_315 : i32 to vector<16xi32>
      %parallel_loop3A_317 = arith.cmpi ne, %parallel_loop3A_298, %parallel_loop3A_316 : vector<16xi32>
      %parallel_loop3A_318 = arith.constant 0.000000e+00 : f32
      %parallel_loop3A_319 = vector.broadcast %parallel_loop3A_318 : f32 to vector<16xf32>
      %parallel_loop3A_320 = arith.select %parallel_loop3A_317, %parallel_loop3A_313, %parallel_loop3A_319 : vector<16xi1>, vector<16xf32>
      %parallel_loop3A_321 = arith.addf %parallel_loop3A_259, %parallel_loop3A_320 : vector<16xf32>
      %parallel_loop3A_322 = arith.addi %parallel_loop3A_260, %parallel_loop3A_298 : vector<16xi32>
      %parallel_loop3A_323 = arith.constant 80 : i32
      %parallel_loop3A_324 = arith.addi %parallel_loop3A_161, %parallel_loop3A_323 : i32
      %parallel_loop3A_325 = arith.constant 32768 : i32
      %parallel_loop3A_326 = tpu.memref_slice %arg6[%parallel_loop3A_325] : memref<49152xi32, #tpu.memory_space<vmem>> -> memref<16384xi32, #tpu.memory_space<vmem>>
      %parallel_loop3A_327 = arith.index_cast %parallel_loop3A_324 : i32 to index
      %parallel_loop3A_328 = tpu.vector_load %parallel_loop3A_326[%parallel_loop3A_327] {strides = array<i32>} : memref<16384xi32, #tpu.memory_space<vmem>>, vector<16xi32>,
      %parallel_loop3A_329 = vector.shape_cast %parallel_loop3A_328 : vector<16xi32> to vector<16xi32>
      %parallel_loop3A_330 = arith.constant 32768 : i32
      %parallel_loop3A_331 = tpu.memref_slice %arg5[%parallel_loop3A_330] : memref<49152xf32, #tpu.memory_space<vmem>> -> memref<16384xf32, #tpu.memory_space<vmem>>
      %parallel_loop3A_332 = arith.index_cast %parallel_loop3A_324 : i32 to index
      %parallel_loop3A_333 = tpu.vector_load %parallel_loop3A_331[%parallel_loop3A_332] {strides = array<i32>} : memref<16384xf32, #tpu.memory_space<vmem>>, vector<16xf32>,
      %parallel_loop3A_334 = vector.shape_cast %parallel_loop3A_333 : vector<16xf32> to vector<16xf32>
      %parallel_loop3A_335 = arith.constant -1.000000e+00 : f32
      %parallel_loop3A_336 = vector.broadcast %parallel_loop3A_335 : f32 to vector<16xf32>
      %parallel_loop3A_337 = arith.mulf %parallel_loop3A_334, %parallel_loop3A_336 : vector<16xf32>
      %parallel_loop3A_338 = math.exp %parallel_loop3A_337 : vector<16xf32>
      %parallel_loop3A_339 = arith.constant 1.000000e+00 : f32
      %parallel_loop3A_340 = vector.broadcast %parallel_loop3A_339 : f32 to vector<16xf32>
      %parallel_loop3A_341 = arith.addf %parallel_loop3A_340, %parallel_loop3A_338 : vector<16xf32>
      %parallel_loop3A_342 = arith.constant 1.000000e+00 : f32
      %parallel_loop3A_343 = vector.broadcast %parallel_loop3A_342 : f32 to vector<16xf32>
      %parallel_loop3A_344 = arith.divf %parallel_loop3A_343, %parallel_loop3A_341 : vector<16xf32>
      %parallel_loop3A_345 = arith.addf %parallel_loop3A_283, %parallel_loop3A_344 : vector<16xf32>
      %parallel_loop3A_346 = arith.constant 0 : i32
      %parallel_loop3A_347 = vector.broadcast %parallel_loop3A_346 : i32 to vector<16xi32>
      %parallel_loop3A_348 = arith.cmpi ne, %parallel_loop3A_329, %parallel_loop3A_347 : vector<16xi32>
      %parallel_loop3A_349 = arith.constant 0.000000e+00 : f32
      %parallel_loop3A_350 = vector.broadcast %parallel_loop3A_349 : f32 to vector<16xf32>
      %parallel_loop3A_351 = arith.select %parallel_loop3A_348, %parallel_loop3A_344, %parallel_loop3A_350 : vector<16xi1>, vector<16xf32>
      %parallel_loop3A_352 = arith.addf %parallel_loop3A_290, %parallel_loop3A_351 : vector<16xf32>
      %parallel_loop3A_353 = arith.addi %parallel_loop3A_291, %parallel_loop3A_329 : vector<16xi32>
      %parallel_loop3A_354 = arith.constant 96 : i32
      %parallel_loop3A_355 = arith.addi %parallel_loop3A_161, %parallel_loop3A_354 : i32
      %parallel_loop3A_356 = arith.constant 32768 : i32
      %parallel_loop3A_357 = tpu.memref_slice %arg6[%parallel_loop3A_356] : memref<49152xi32, #tpu.memory_space<vmem>> -> memref<16384xi32, #tpu.memory_space<vmem>>
      %parallel_loop3A_358 = arith.index_cast %parallel_loop3A_355 : i32 to index
      %parallel_loop3A_359 = tpu.vector_load %parallel_loop3A_357[%parallel_loop3A_358] {strides = array<i32>} : memref<16384xi32, #tpu.memory_space<vmem>>, vector<16xi32>,
      %parallel_loop3A_360 = vector.shape_cast %parallel_loop3A_359 : vector<16xi32> to vector<16xi32>
      %parallel_loop3A_361 = arith.constant 32768 : i32
      %parallel_loop3A_362 = tpu.memref_slice %arg5[%parallel_loop3A_361] : memref<49152xf32, #tpu.memory_space<vmem>> -> memref<16384xf32, #tpu.memory_space<vmem>>
      %parallel_loop3A_363 = arith.index_cast %parallel_loop3A_355 : i32 to index
      %parallel_loop3A_364 = tpu.vector_load %parallel_loop3A_362[%parallel_loop3A_363] {strides = array<i32>} : memref<16384xf32, #tpu.memory_space<vmem>>, vector<16xf32>,
      %parallel_loop3A_365 = vector.shape_cast %parallel_loop3A_364 : vector<16xf32> to vector<16xf32>
      %parallel_loop3A_366 = arith.constant -1.000000e+00 : f32
      %parallel_loop3A_367 = vector.broadcast %parallel_loop3A_366 : f32 to vector<16xf32>
      %parallel_loop3A_368 = arith.mulf %parallel_loop3A_365, %parallel_loop3A_367 : vector<16xf32>
      %parallel_loop3A_369 = math.exp %parallel_loop3A_368 : vector<16xf32>
      %parallel_loop3A_370 = arith.constant 1.000000e+00 : f32
      %parallel_loop3A_371 = vector.broadcast %parallel_loop3A_370 : f32 to vector<16xf32>
      %parallel_loop3A_372 = arith.addf %parallel_loop3A_371, %parallel_loop3A_369 : vector<16xf32>
      %parallel_loop3A_373 = arith.constant 1.000000e+00 : f32
      %parallel_loop3A_374 = vector.broadcast %parallel_loop3A_373 : f32 to vector<16xf32>
      %parallel_loop3A_375 = arith.divf %parallel_loop3A_374, %parallel_loop3A_372 : vector<16xf32>
      %parallel_loop3A_376 = arith.addf %parallel_loop3A_314, %parallel_loop3A_375 : vector<16xf32>
      %parallel_loop3A_377 = arith.constant 0 : i32
      %parallel_loop3A_378 = vector.broadcast %parallel_loop3A_377 : i32 to vector<16xi32>
      %parallel_loop3A_379 = arith.cmpi ne, %parallel_loop3A_360, %parallel_loop3A_378 : vector<16xi32>
      %parallel_loop3A_380 = arith.constant 0.000000e+00 : f32
      %parallel_loop3A_381 = vector.broadcast %parallel_loop3A_380 : f32 to vector<16xf32>
      %parallel_loop3A_382 = arith.select %parallel_loop3A_379, %parallel_loop3A_375, %parallel_loop3A_381 : vector<16xi1>, vector<16xf32>
      %parallel_loop3A_383 = arith.addf %parallel_loop3A_321, %parallel_loop3A_382 : vector<16xf32>
      %parallel_loop3A_384 = arith.addi %parallel_loop3A_322, %parallel_loop3A_360 : vector<16xi32>
      %parallel_loop3A_385 = arith.constant 112 : i32
      %parallel_loop3A_386 = arith.addi %parallel_loop3A_161, %parallel_loop3A_385 : i32
      %parallel_loop3A_387 = arith.constant 32768 : i32
      %parallel_loop3A_388 = tpu.memref_slice %arg6[%parallel_loop3A_387] : memref<49152xi32, #tpu.memory_space<vmem>> -> memref<16384xi32, #tpu.memory_space<vmem>>
      %parallel_loop3A_389 = arith.index_cast %parallel_loop3A_386 : i32 to index
      %parallel_loop3A_390 = tpu.vector_load %parallel_loop3A_388[%parallel_loop3A_389] {strides = array<i32>} : memref<16384xi32, #tpu.memory_space<vmem>>, vector<16xi32>,
      %parallel_loop3A_391 = vector.shape_cast %parallel_loop3A_390 : vector<16xi32> to vector<16xi32>
      %parallel_loop3A_392 = arith.constant 32768 : i32
      %parallel_loop3A_393 = tpu.memref_slice %arg5[%parallel_loop3A_392] : memref<49152xf32, #tpu.memory_space<vmem>> -> memref<16384xf32, #tpu.memory_space<vmem>>
      %parallel_loop3A_394 = arith.index_cast %parallel_loop3A_386 : i32 to index
      %parallel_loop3A_395 = tpu.vector_load %parallel_loop3A_393[%parallel_loop3A_394] {strides = array<i32>} : memref<16384xf32, #tpu.memory_space<vmem>>, vector<16xf32>,
      %parallel_loop3A_396 = vector.shape_cast %parallel_loop3A_395 : vector<16xf32> to vector<16xf32>
      %parallel_loop3A_397 = arith.constant -1.000000e+00 : f32
      %parallel_loop3A_398 = vector.broadcast %parallel_loop3A_397 : f32 to vector<16xf32>
      %parallel_loop3A_399 = arith.mulf %parallel_loop3A_396, %parallel_loop3A_398 : vector<16xf32>
      %parallel_loop3A_400 = math.exp %parallel_loop3A_399 : vector<16xf32>
      %parallel_loop3A_401 = arith.constant 1.000000e+00 : f32
      %parallel_loop3A_402 = vector.broadcast %parallel_loop3A_401 : f32 to vector<16xf32>
      %parallel_loop3A_403 = arith.addf %parallel_loop3A_402, %parallel_loop3A_400 : vector<16xf32>
      %parallel_loop3A_404 = arith.constant 1.000000e+00 : f32
      %parallel_loop3A_405 = vector.broadcast %parallel_loop3A_404 : f32 to vector<16xf32>
      %parallel_loop3A_406 = arith.divf %parallel_loop3A_405, %parallel_loop3A_403 : vector<16xf32>
      %parallel_loop3A_407 = arith.addf %parallel_loop3A_345, %parallel_loop3A_406 : vector<16xf32>
      %parallel_loop3A_408 = arith.constant 0 : i32
      %parallel_loop3A_409 = vector.broadcast %parallel_loop3A_408 : i32 to vector<16xi32>
      %parallel_loop3A_410 = arith.cmpi ne, %parallel_loop3A_391, %parallel_loop3A_409 : vector<16xi32>
      %parallel_loop3A_411 = arith.constant 0.000000e+00 : f32
      %parallel_loop3A_412 = vector.broadcast %parallel_loop3A_411 : f32 to vector<16xf32>
      %parallel_loop3A_413 = arith.select %parallel_loop3A_410, %parallel_loop3A_406, %parallel_loop3A_412 : vector<16xi1>, vector<16xf32>
      %parallel_loop3A_414 = arith.addf %parallel_loop3A_352, %parallel_loop3A_413 : vector<16xf32>
      %parallel_loop3A_415 = arith.addi %parallel_loop3A_353, %parallel_loop3A_391 : vector<16xi32>
      scf.yield %parallel_loop3A_376, %parallel_loop3A_383, %parallel_loop3A_384, %parallel_loop3A_407, %parallel_loop3A_414, %parallel_loop3A_415 : vector<16xf32>, vector<16xf32>, vector<16xi32>, vector<16xf32>, vector<16xf32>, vector<16xi32>
    } {sc.loop_unroll_factor = 1 : i64, sc.parallel_access}
    %dma_wait3A_123 = arith.constant 0 : i32
    %dma_wait3A_124 = tpu.memref_slice %arg5[%dma_wait3A_123] : memref<49152xf32, #tpu.memory_space<vmem>> -> memref<16384xf32, #tpu.memory_space<vmem>>
    %dma_wait3A_125 = arith.constant 0 : i32
    %dma_wait3A_126 = tpu.memref_slice %arg2[%mul3A_2, %dma_wait3A_125] : memref<128x32768xf32, #tpu.memory_space<hbm>> -> memref<1x16384xf32, #tpu.memory_space<hbm>>
    %dma_wait3A_127 = tpu.memref_squeeze %dma_wait3A_126 : memref<1x16384xf32, #tpu.memory_space<hbm>> -> memref<16384xf32, #tpu.memory_space<hbm>>
    %dma_wait3A_128 = arith.constant 0 : i32
    %dma_wait3A_129 = tpu.memref_slice %arg5[%dma_wait3A_128] : memref<49152xf32, #tpu.memory_space<vmem>> -> memref<16384xf32, #tpu.memory_space<vmem>>
    %dma_wait3A_130 = arith.constant 0 : i32
    %dma_wait3A_131 = tpu.memref_slice %arg2[%mul3A_2, %dma_wait3A_130] : memref<128x32768xf32, #tpu.memory_space<hbm>> -> memref<1x16384xf32, #tpu.memory_space<hbm>>
    %dma_wait3A_132 = tpu.memref_squeeze %dma_wait3A_131 : memref<1x16384xf32, #tpu.memory_space<hbm>> -> memref<16384xf32, #tpu.memory_space<hbm>>
    tpu.wait_dma2 semaphore(%arg8 : memref<!tpu.dma_semaphore, #tpu.memory_space<semaphore_mem>>) src(%dma_wait3A_132 : memref<16384xf32, #tpu.memory_space<hbm>>) dst(%dma_wait3A_129 : memref<16384xf32, #tpu.memory_space<vmem>>)
    %dma_wait3A_133 = arith.constant 0 : i32
    %dma_wait3A_134 = tpu.memref_slice %arg6[%dma_wait3A_133] : memref<49152xi32, #tpu.memory_space<vmem>> -> memref<16384xi32, #tpu.memory_space<vmem>>
    %dma_wait3A_135 = arith.constant 0 : i32
    %dma_wait3A_136 = tpu.memref_slice %arg3[%mul3A_2, %dma_wait3A_135] : memref<128x32768xi32, #tpu.memory_space<hbm>> -> memref<1x16384xi32, #tpu.memory_space<hbm>>
    %dma_wait3A_137 = tpu.memref_squeeze %dma_wait3A_136 : memref<1x16384xi32, #tpu.memory_space<hbm>> -> memref<16384xi32, #tpu.memory_space<hbm>>
    %dma_wait3A_138 = arith.constant 0 : i32
    %dma_wait3A_139 = tpu.memref_slice %arg6[%dma_wait3A_138] : memref<49152xi32, #tpu.memory_space<vmem>> -> memref<16384xi32, #tpu.memory_space<vmem>>
    %dma_wait3A_140 = arith.constant 0 : i32
    %dma_wait3A_141 = tpu.memref_slice %arg3[%mul3A_2, %dma_wait3A_140] : memref<128x32768xi32, #tpu.memory_space<hbm>> -> memref<1x16384xi32, #tpu.memory_space<hbm>>
    %dma_wait3A_142 = tpu.memref_squeeze %dma_wait3A_141 : memref<1x16384xi32, #tpu.memory_space<hbm>> -> memref<16384xi32, #tpu.memory_space<hbm>>
    tpu.wait_dma2 semaphore(%arg8 : memref<!tpu.dma_semaphore, #tpu.memory_space<semaphore_mem>>) src(%dma_wait3A_142 : memref<16384xi32, #tpu.memory_space<hbm>>) dst(%dma_wait3A_139 : memref<16384xi32, #tpu.memory_space<vmem>>)
    %parallel_loop3A_143 = arith.constant 0 : i32
    %parallel_loop3A_144 = arith.constant 16384 : i32
    %parallel_loop3A_145 = arith.constant 128 : i32
    %parallel_loop3A_146:6 = scf.for %parallel_loop3A_161 = %parallel_loop3A_143 to %parallel_loop3A_144 step %parallel_loop3A_145 iter_args(%parallel_loop3A_162 = %parallel_loop3A_122#0, %parallel_loop3A_163 = %parallel_loop3A_122#1, %parallel_loop3A_164 = %parallel_loop3A_122#2, %parallel_loop3A_165 = %parallel_loop3A_122#3, %parallel_loop3A_166 = %parallel_loop3A_122#4, %parallel_loop3A_167 = %parallel_loop3A_122#5) -> (vector<16xf32>, vector<16xf32>, vector<16xi32>, vector<16xf32>, vector<16xf32>, vector<16xi32>)  : i32 {
      %parallel_loop3A_168 = arith.constant 0 : i32
      %parallel_loop3A_169 = arith.addi %parallel_loop3A_161, %parallel_loop3A_168 : i32
      %parallel_loop3A_170 = arith.constant 0 : i32
      %parallel_loop3A_171 = tpu.memref_slice %arg6[%parallel_loop3A_170] : memref<49152xi32, #tpu.memory_space<vmem>> -> memref<16384xi32, #tpu.memory_space<vmem>>
      %parallel_loop3A_172 = arith.index_cast %parallel_loop3A_169 : i32 to index
      %parallel_loop3A_173 = tpu.vector_load %parallel_loop3A_171[%parallel_loop3A_172] {strides = array<i32>} : memref<16384xi32, #tpu.memory_space<vmem>>, vector<16xi32>,
      %parallel_loop3A_174 = vector.shape_cast %parallel_loop3A_173 : vector<16xi32> to vector<16xi32>
      %parallel_loop3A_175 = arith.constant 0 : i32
      %parallel_loop3A_176 = tpu.memref_slice %arg5[%parallel_loop3A_175] : memref<49152xf32, #tpu.memory_space<vmem>> -> memref<16384xf32, #tpu.memory_space<vmem>>
      %parallel_loop3A_177 = arith.index_cast %parallel_loop3A_169 : i32 to index
      %parallel_loop3A_178 = tpu.vector_load %parallel_loop3A_176[%parallel_loop3A_177] {strides = array<i32>} : memref<16384xf32, #tpu.memory_space<vmem>>, vector<16xf32>,
      %parallel_loop3A_179 = vector.shape_cast %parallel_loop3A_178 : vector<16xf32> to vector<16xf32>
      %parallel_loop3A_180 = arith.constant -1.000000e+00 : f32
      %parallel_loop3A_181 = vector.broadcast %parallel_loop3A_180 : f32 to vector<16xf32>
      %parallel_loop3A_182 = arith.mulf %parallel_loop3A_179, %parallel_loop3A_181 : vector<16xf32>
      %parallel_loop3A_183 = math.exp %parallel_loop3A_182 : vector<16xf32>
      %parallel_loop3A_184 = arith.constant 1.000000e+00 : f32
      %parallel_loop3A_185 = vector.broadcast %parallel_loop3A_184 : f32 to vector<16xf32>
      %parallel_loop3A_186 = arith.addf %parallel_loop3A_185, %parallel_loop3A_183 : vector<16xf32>
      %parallel_loop3A_187 = arith.constant 1.000000e+00 : f32
      %parallel_loop3A_188 = vector.broadcast %parallel_loop3A_187 : f32 to vector<16xf32>
      %parallel_loop3A_189 = arith.divf %parallel_loop3A_188, %parallel_loop3A_186 : vector<16xf32>
      %parallel_loop3A_190 = arith.addf %parallel_loop3A_162, %parallel_loop3A_189 : vector<16xf32>
      %parallel_loop3A_191 = arith.constant 0 : i32
      %parallel_loop3A_192 = vector.broadcast %parallel_loop3A_191 : i32 to vector<16xi32>
      %parallel_loop3A_193 = arith.cmpi ne, %parallel_loop3A_174, %parallel_loop3A_192 : vector<16xi32>
      %parallel_loop3A_194 = arith.constant 0.000000e+00 : f32
      %parallel_loop3A_195 = vector.broadcast %parallel_loop3A_194 : f32 to vector<16xf32>
      %parallel_loop3A_196 = arith.select %parallel_loop3A_193, %parallel_loop3A_189, %parallel_loop3A_195 : vector<16xi1>, vector<16xf32>
      %parallel_loop3A_197 = arith.addf %parallel_loop3A_163, %parallel_loop3A_196 : vector<16xf32>
      %parallel_loop3A_198 = arith.addi %parallel_loop3A_164, %parallel_loop3A_174 : vector<16xi32>
      %parallel_loop3A_199 = arith.constant 16 : i32
      %parallel_loop3A_200 = arith.addi %parallel_loop3A_161, %parallel_loop3A_199 : i32
      %parallel_loop3A_201 = arith.constant 0 : i32
      %parallel_loop3A_202 = tpu.memref_slice %arg6[%parallel_loop3A_201] : memref<49152xi32, #tpu.memory_space<vmem>> -> memref<16384xi32, #tpu.memory_space<vmem>>
      %parallel_loop3A_203 = arith.index_cast %parallel_loop3A_200 : i32 to index
      %parallel_loop3A_204 = tpu.vector_load %parallel_loop3A_202[%parallel_loop3A_203] {strides = array<i32>} : memref<16384xi32, #tpu.memory_space<vmem>>, vector<16xi32>,
      %parallel_loop3A_205 = vector.shape_cast %parallel_loop3A_204 : vector<16xi32> to vector<16xi32>
      %parallel_loop3A_206 = arith.constant 0 : i32
      %parallel_loop3A_207 = tpu.memref_slice %arg5[%parallel_loop3A_206] : memref<49152xf32, #tpu.memory_space<vmem>> -> memref<16384xf32, #tpu.memory_space<vmem>>
      %parallel_loop3A_208 = arith.index_cast %parallel_loop3A_200 : i32 to index
      %parallel_loop3A_209 = tpu.vector_load %parallel_loop3A_207[%parallel_loop3A_208] {strides = array<i32>} : memref<16384xf32, #tpu.memory_space<vmem>>, vector<16xf32>,
      %parallel_loop3A_210 = vector.shape_cast %parallel_loop3A_209 : vector<16xf32> to vector<16xf32>
      %parallel_loop3A_211 = arith.constant -1.000000e+00 : f32
      %parallel_loop3A_212 = vector.broadcast %parallel_loop3A_211 : f32 to vector<16xf32>
      %parallel_loop3A_213 = arith.mulf %parallel_loop3A_210, %parallel_loop3A_212 : vector<16xf32>
      %parallel_loop3A_214 = math.exp %parallel_loop3A_213 : vector<16xf32>
      %parallel_loop3A_215 = arith.constant 1.000000e+00 : f32
      %parallel_loop3A_216 = vector.broadcast %parallel_loop3A_215 : f32 to vector<16xf32>
      %parallel_loop3A_217 = arith.addf %parallel_loop3A_216, %parallel_loop3A_214 : vector<16xf32>
      %parallel_loop3A_218 = arith.constant 1.000000e+00 : f32
      %parallel_loop3A_219 = vector.broadcast %parallel_loop3A_218 : f32 to vector<16xf32>
      %parallel_loop3A_220 = arith.divf %parallel_loop3A_219, %parallel_loop3A_217 : vector<16xf32>
      %parallel_loop3A_221 = arith.addf %parallel_loop3A_165, %parallel_loop3A_220 : vector<16xf32>
      %parallel_loop3A_222 = arith.constant 0 : i32
      %parallel_loop3A_223 = vector.broadcast %parallel_loop3A_222 : i32 to vector<16xi32>
      %parallel_loop3A_224 = arith.cmpi ne, %parallel_loop3A_205, %parallel_loop3A_223 : vector<16xi32>
      %parallel_loop3A_225 = arith.constant 0.000000e+00 : f32
      %parallel_loop3A_226 = vector.broadcast %parallel_loop3A_225 : f32 to vector<16xf32>
      %parallel_loop3A_227 = arith.select %parallel_loop3A_224, %parallel_loop3A_220, %parallel_loop3A_226 : vector<16xi1>, vector<16xf32>
      %parallel_loop3A_228 = arith.addf %parallel_loop3A_166, %parallel_loop3A_227 : vector<16xf32>
      %parallel_loop3A_229 = arith.addi %parallel_loop3A_167, %parallel_loop3A_205 : vector<16xi32>
      %parallel_loop3A_230 = arith.constant 32 : i32
      %parallel_loop3A_231 = arith.addi %parallel_loop3A_161, %parallel_loop3A_230 : i32
      %parallel_loop3A_232 = arith.constant 0 : i32
      %parallel_loop3A_233 = tpu.memref_slice %arg6[%parallel_loop3A_232] : memref<49152xi32, #tpu.memory_space<vmem>> -> memref<16384xi32, #tpu.memory_space<vmem>>
      %parallel_loop3A_234 = arith.index_cast %parallel_loop3A_231 : i32 to index
      %parallel_loop3A_235 = tpu.vector_load %parallel_loop3A_233[%parallel_loop3A_234] {strides = array<i32>} : memref<16384xi32, #tpu.memory_space<vmem>>, vector<16xi32>,
      %parallel_loop3A_236 = vector.shape_cast %parallel_loop3A_235 : vector<16xi32> to vector<16xi32>
      %parallel_loop3A_237 = arith.constant 0 : i32
      %parallel_loop3A_238 = tpu.memref_slice %arg5[%parallel_loop3A_237] : memref<49152xf32, #tpu.memory_space<vmem>> -> memref<16384xf32, #tpu.memory_space<vmem>>
      %parallel_loop3A_239 = arith.index_cast %parallel_loop3A_231 : i32 to index
      %parallel_loop3A_240 = tpu.vector_load %parallel_loop3A_238[%parallel_loop3A_239] {strides = array<i32>} : memref<16384xf32, #tpu.memory_space<vmem>>, vector<16xf32>,
      %parallel_loop3A_241 = vector.shape_cast %parallel_loop3A_240 : vector<16xf32> to vector<16xf32>
      %parallel_loop3A_242 = arith.constant -1.000000e+00 : f32
      %parallel_loop3A_243 = vector.broadcast %parallel_loop3A_242 : f32 to vector<16xf32>
      %parallel_loop3A_244 = arith.mulf %parallel_loop3A_241, %parallel_loop3A_243 : vector<16xf32>
      %parallel_loop3A_245 = math.exp %parallel_loop3A_244 : vector<16xf32>
      %parallel_loop3A_246 = arith.constant 1.000000e+00 : f32
      %parallel_loop3A_247 = vector.broadcast %parallel_loop3A_246 : f32 to vector<16xf32>
      %parallel_loop3A_248 = arith.addf %parallel_loop3A_247, %parallel_loop3A_245 : vector<16xf32>
      %parallel_loop3A_249 = arith.constant 1.000000e+00 : f32
      %parallel_loop3A_250 = vector.broadcast %parallel_loop3A_249 : f32 to vector<16xf32>
      %parallel_loop3A_251 = arith.divf %parallel_loop3A_250, %parallel_loop3A_248 : vector<16xf32>
      %parallel_loop3A_252 = arith.addf %parallel_loop3A_190, %parallel_loop3A_251 : vector<16xf32>
      %parallel_loop3A_253 = arith.constant 0 : i32
      %parallel_loop3A_254 = vector.broadcast %parallel_loop3A_253 : i32 to vector<16xi32>
      %parallel_loop3A_255 = arith.cmpi ne, %parallel_loop3A_236, %parallel_loop3A_254 : vector<16xi32>
      %parallel_loop3A_256 = arith.constant 0.000000e+00 : f32
      %parallel_loop3A_257 = vector.broadcast %parallel_loop3A_256 : f32 to vector<16xf32>
      %parallel_loop3A_258 = arith.select %parallel_loop3A_255, %parallel_loop3A_251, %parallel_loop3A_257 : vector<16xi1>, vector<16xf32>
      %parallel_loop3A_259 = arith.addf %parallel_loop3A_197, %parallel_loop3A_258 : vector<16xf32>
      %parallel_loop3A_260 = arith.addi %parallel_loop3A_198, %parallel_loop3A_236 : vector<16xi32>
      %parallel_loop3A_261 = arith.constant 48 : i32
      %parallel_loop3A_262 = arith.addi %parallel_loop3A_161, %parallel_loop3A_261 : i32
      %parallel_loop3A_263 = arith.constant 0 : i32
      %parallel_loop3A_264 = tpu.memref_slice %arg6[%parallel_loop3A_263] : memref<49152xi32, #tpu.memory_space<vmem>> -> memref<16384xi32, #tpu.memory_space<vmem>>
      %parallel_loop3A_265 = arith.index_cast %parallel_loop3A_262 : i32 to index
      %parallel_loop3A_266 = tpu.vector_load %parallel_loop3A_264[%parallel_loop3A_265] {strides = array<i32>} : memref<16384xi32, #tpu.memory_space<vmem>>, vector<16xi32>,
      %parallel_loop3A_267 = vector.shape_cast %parallel_loop3A_266 : vector<16xi32> to vector<16xi32>
      %parallel_loop3A_268 = arith.constant 0 : i32
      %parallel_loop3A_269 = tpu.memref_slice %arg5[%parallel_loop3A_268] : memref<49152xf32, #tpu.memory_space<vmem>> -> memref<16384xf32, #tpu.memory_space<vmem>>
      %parallel_loop3A_270 = arith.index_cast %parallel_loop3A_262 : i32 to index
      %parallel_loop3A_271 = tpu.vector_load %parallel_loop3A_269[%parallel_loop3A_270] {strides = array<i32>} : memref<16384xf32, #tpu.memory_space<vmem>>, vector<16xf32>,
      %parallel_loop3A_272 = vector.shape_cast %parallel_loop3A_271 : vector<16xf32> to vector<16xf32>
      %parallel_loop3A_273 = arith.constant -1.000000e+00 : f32
      %parallel_loop3A_274 = vector.broadcast %parallel_loop3A_273 : f32 to vector<16xf32>
      %parallel_loop3A_275 = arith.mulf %parallel_loop3A_272, %parallel_loop3A_274 : vector<16xf32>
      %parallel_loop3A_276 = math.exp %parallel_loop3A_275 : vector<16xf32>
      %parallel_loop3A_277 = arith.constant 1.000000e+00 : f32
      %parallel_loop3A_278 = vector.broadcast %parallel_loop3A_277 : f32 to vector<16xf32>
      %parallel_loop3A_279 = arith.addf %parallel_loop3A_278, %parallel_loop3A_276 : vector<16xf32>
      %parallel_loop3A_280 = arith.constant 1.000000e+00 : f32
      %parallel_loop3A_281 = vector.broadcast %parallel_loop3A_280 : f32 to vector<16xf32>
      %parallel_loop3A_282 = arith.divf %parallel_loop3A_281, %parallel_loop3A_279 : vector<16xf32>
      %parallel_loop3A_283 = arith.addf %parallel_loop3A_221, %parallel_loop3A_282 : vector<16xf32>
      %parallel_loop3A_284 = arith.constant 0 : i32
      %parallel_loop3A_285 = vector.broadcast %parallel_loop3A_284 : i32 to vector<16xi32>
      %parallel_loop3A_286 = arith.cmpi ne, %parallel_loop3A_267, %parallel_loop3A_285 : vector<16xi32>
      %parallel_loop3A_287 = arith.constant 0.000000e+00 : f32
      %parallel_loop3A_288 = vector.broadcast %parallel_loop3A_287 : f32 to vector<16xf32>
      %parallel_loop3A_289 = arith.select %parallel_loop3A_286, %parallel_loop3A_282, %parallel_loop3A_288 : vector<16xi1>, vector<16xf32>
      %parallel_loop3A_290 = arith.addf %parallel_loop3A_228, %parallel_loop3A_289 : vector<16xf32>
      %parallel_loop3A_291 = arith.addi %parallel_loop3A_229, %parallel_loop3A_267 : vector<16xi32>
      %parallel_loop3A_292 = arith.constant 64 : i32
      %parallel_loop3A_293 = arith.addi %parallel_loop3A_161, %parallel_loop3A_292 : i32
      %parallel_loop3A_294 = arith.constant 0 : i32
      %parallel_loop3A_295 = tpu.memref_slice %arg6[%parallel_loop3A_294] : memref<49152xi32, #tpu.memory_space<vmem>> -> memref<16384xi32, #tpu.memory_space<vmem>>
      %parallel_loop3A_296 = arith.index_cast %parallel_loop3A_293 : i32 to index
      %parallel_loop3A_297 = tpu.vector_load %parallel_loop3A_295[%parallel_loop3A_296] {strides = array<i32>} : memref<16384xi32, #tpu.memory_space<vmem>>, vector<16xi32>,
      %parallel_loop3A_298 = vector.shape_cast %parallel_loop3A_297 : vector<16xi32> to vector<16xi32>
      %parallel_loop3A_299 = arith.constant 0 : i32
      %parallel_loop3A_300 = tpu.memref_slice %arg5[%parallel_loop3A_299] : memref<49152xf32, #tpu.memory_space<vmem>> -> memref<16384xf32, #tpu.memory_space<vmem>>
      %parallel_loop3A_301 = arith.index_cast %parallel_loop3A_293 : i32 to index
      %parallel_loop3A_302 = tpu.vector_load %parallel_loop3A_300[%parallel_loop3A_301] {strides = array<i32>} : memref<16384xf32, #tpu.memory_space<vmem>>, vector<16xf32>,
      %parallel_loop3A_303 = vector.shape_cast %parallel_loop3A_302 : vector<16xf32> to vector<16xf32>
      %parallel_loop3A_304 = arith.constant -1.000000e+00 : f32
      %parallel_loop3A_305 = vector.broadcast %parallel_loop3A_304 : f32 to vector<16xf32>
      %parallel_loop3A_306 = arith.mulf %parallel_loop3A_303, %parallel_loop3A_305 : vector<16xf32>
      %parallel_loop3A_307 = math.exp %parallel_loop3A_306 : vector<16xf32>
      %parallel_loop3A_308 = arith.constant 1.000000e+00 : f32
      %parallel_loop3A_309 = vector.broadcast %parallel_loop3A_308 : f32 to vector<16xf32>
      %parallel_loop3A_310 = arith.addf %parallel_loop3A_309, %parallel_loop3A_307 : vector<16xf32>
      %parallel_loop3A_311 = arith.constant 1.000000e+00 : f32
      %parallel_loop3A_312 = vector.broadcast %parallel_loop3A_311 : f32 to vector<16xf32>
      %parallel_loop3A_313 = arith.divf %parallel_loop3A_312, %parallel_loop3A_310 : vector<16xf32>
      %parallel_loop3A_314 = arith.addf %parallel_loop3A_252, %parallel_loop3A_313 : vector<16xf32>
      %parallel_loop3A_315 = arith.constant 0 : i32
      %parallel_loop3A_316 = vector.broadcast %parallel_loop3A_315 : i32 to vector<16xi32>
      %parallel_loop3A_317 = arith.cmpi ne, %parallel_loop3A_298, %parallel_loop3A_316 : vector<16xi32>
      %parallel_loop3A_318 = arith.constant 0.000000e+00 : f32
      %parallel_loop3A_319 = vector.broadcast %parallel_loop3A_318 : f32 to vector<16xf32>
      %parallel_loop3A_320 = arith.select %parallel_loop3A_317, %parallel_loop3A_313, %parallel_loop3A_319 : vector<16xi1>, vector<16xf32>
      %parallel_loop3A_321 = arith.addf %parallel_loop3A_259, %parallel_loop3A_320 : vector<16xf32>
      %parallel_loop3A_322 = arith.addi %parallel_loop3A_260, %parallel_loop3A_298 : vector<16xi32>
      %parallel_loop3A_323 = arith.constant 80 : i32
      %parallel_loop3A_324 = arith.addi %parallel_loop3A_161, %parallel_loop3A_323 : i32
      %parallel_loop3A_325 = arith.constant 0 : i32
      %parallel_loop3A_326 = tpu.memref_slice %arg6[%parallel_loop3A_325] : memref<49152xi32, #tpu.memory_space<vmem>> -> memref<16384xi32, #tpu.memory_space<vmem>>
      %parallel_loop3A_327 = arith.index_cast %parallel_loop3A_324 : i32 to index
      %parallel_loop3A_328 = tpu.vector_load %parallel_loop3A_326[%parallel_loop3A_327] {strides = array<i32>} : memref<16384xi32, #tpu.memory_space<vmem>>, vector<16xi32>,
      %parallel_loop3A_329 = vector.shape_cast %parallel_loop3A_328 : vector<16xi32> to vector<16xi32>
      %parallel_loop3A_330 = arith.constant 0 : i32
      %parallel_loop3A_331 = tpu.memref_slice %arg5[%parallel_loop3A_330] : memref<49152xf32, #tpu.memory_space<vmem>> -> memref<16384xf32, #tpu.memory_space<vmem>>
      %parallel_loop3A_332 = arith.index_cast %parallel_loop3A_324 : i32 to index
      %parallel_loop3A_333 = tpu.vector_load %parallel_loop3A_331[%parallel_loop3A_332] {strides = array<i32>} : memref<16384xf32, #tpu.memory_space<vmem>>, vector<16xf32>,
      %parallel_loop3A_334 = vector.shape_cast %parallel_loop3A_333 : vector<16xf32> to vector<16xf32>
      %parallel_loop3A_335 = arith.constant -1.000000e+00 : f32
      %parallel_loop3A_336 = vector.broadcast %parallel_loop3A_335 : f32 to vector<16xf32>
      %parallel_loop3A_337 = arith.mulf %parallel_loop3A_334, %parallel_loop3A_336 : vector<16xf32>
      %parallel_loop3A_338 = math.exp %parallel_loop3A_337 : vector<16xf32>
      %parallel_loop3A_339 = arith.constant 1.000000e+00 : f32
      %parallel_loop3A_340 = vector.broadcast %parallel_loop3A_339 : f32 to vector<16xf32>
      %parallel_loop3A_341 = arith.addf %parallel_loop3A_340, %parallel_loop3A_338 : vector<16xf32>
      %parallel_loop3A_342 = arith.constant 1.000000e+00 : f32
      %parallel_loop3A_343 = vector.broadcast %parallel_loop3A_342 : f32 to vector<16xf32>
      %parallel_loop3A_344 = arith.divf %parallel_loop3A_343, %parallel_loop3A_341 : vector<16xf32>
      %parallel_loop3A_345 = arith.addf %parallel_loop3A_283, %parallel_loop3A_344 : vector<16xf32>
      %parallel_loop3A_346 = arith.constant 0 : i32
      %parallel_loop3A_347 = vector.broadcast %parallel_loop3A_346 : i32 to vector<16xi32>
      %parallel_loop3A_348 = arith.cmpi ne, %parallel_loop3A_329, %parallel_loop3A_347 : vector<16xi32>
      %parallel_loop3A_349 = arith.constant 0.000000e+00 : f32
      %parallel_loop3A_350 = vector.broadcast %parallel_loop3A_349 : f32 to vector<16xf32>
      %parallel_loop3A_351 = arith.select %parallel_loop3A_348, %parallel_loop3A_344, %parallel_loop3A_350 : vector<16xi1>, vector<16xf32>
      %parallel_loop3A_352 = arith.addf %parallel_loop3A_290, %parallel_loop3A_351 : vector<16xf32>
      %parallel_loop3A_353 = arith.addi %parallel_loop3A_291, %parallel_loop3A_329 : vector<16xi32>
      %parallel_loop3A_354 = arith.constant 96 : i32
      %parallel_loop3A_355 = arith.addi %parallel_loop3A_161, %parallel_loop3A_354 : i32
      %parallel_loop3A_356 = arith.constant 0 : i32
      %parallel_loop3A_357 = tpu.memref_slice %arg6[%parallel_loop3A_356] : memref<49152xi32, #tpu.memory_space<vmem>> -> memref<16384xi32, #tpu.memory_space<vmem>>
      %parallel_loop3A_358 = arith.index_cast %parallel_loop3A_355 : i32 to index
      %parallel_loop3A_359 = tpu.vector_load %parallel_loop3A_357[%parallel_loop3A_358] {strides = array<i32>} : memref<16384xi32, #tpu.memory_space<vmem>>, vector<16xi32>,
      %parallel_loop3A_360 = vector.shape_cast %parallel_loop3A_359 : vector<16xi32> to vector<16xi32>
      %parallel_loop3A_361 = arith.constant 0 : i32
      %parallel_loop3A_362 = tpu.memref_slice %arg5[%parallel_loop3A_361] : memref<49152xf32, #tpu.memory_space<vmem>> -> memref<16384xf32, #tpu.memory_space<vmem>>
      %parallel_loop3A_363 = arith.index_cast %parallel_loop3A_355 : i32 to index
      %parallel_loop3A_364 = tpu.vector_load %parallel_loop3A_362[%parallel_loop3A_363] {strides = array<i32>} : memref<16384xf32, #tpu.memory_space<vmem>>, vector<16xf32>,
      %parallel_loop3A_365 = vector.shape_cast %parallel_loop3A_364 : vector<16xf32> to vector<16xf32>
      %parallel_loop3A_366 = arith.constant -1.000000e+00 : f32
      %parallel_loop3A_367 = vector.broadcast %parallel_loop3A_366 : f32 to vector<16xf32>
      %parallel_loop3A_368 = arith.mulf %parallel_loop3A_365, %parallel_loop3A_367 : vector<16xf32>
      %parallel_loop3A_369 = math.exp %parallel_loop3A_368 : vector<16xf32>
      %parallel_loop3A_370 = arith.constant 1.000000e+00 : f32
      %parallel_loop3A_371 = vector.broadcast %parallel_loop3A_370 : f32 to vector<16xf32>
      %parallel_loop3A_372 = arith.addf %parallel_loop3A_371, %parallel_loop3A_369 : vector<16xf32>
      %parallel_loop3A_373 = arith.constant 1.000000e+00 : f32
      %parallel_loop3A_374 = vector.broadcast %parallel_loop3A_373 : f32 to vector<16xf32>
      %parallel_loop3A_375 = arith.divf %parallel_loop3A_374, %parallel_loop3A_372 : vector<16xf32>
      %parallel_loop3A_376 = arith.addf %parallel_loop3A_314, %parallel_loop3A_375 : vector<16xf32>
      %parallel_loop3A_377 = arith.constant 0 : i32
      %parallel_loop3A_378 = vector.broadcast %parallel_loop3A_377 : i32 to vector<16xi32>
      %parallel_loop3A_379 = arith.cmpi ne, %parallel_loop3A_360, %parallel_loop3A_378 : vector<16xi32>
      %parallel_loop3A_380 = arith.constant 0.000000e+00 : f32
      %parallel_loop3A_381 = vector.broadcast %parallel_loop3A_380 : f32 to vector<16xf32>
      %parallel_loop3A_382 = arith.select %parallel_loop3A_379, %parallel_loop3A_375, %parallel_loop3A_381 : vector<16xi1>, vector<16xf32>
      %parallel_loop3A_383 = arith.addf %parallel_loop3A_321, %parallel_loop3A_382 : vector<16xf32>
      %parallel_loop3A_384 = arith.addi %parallel_loop3A_322, %parallel_loop3A_360 : vector<16xi32>
      %parallel_loop3A_385 = arith.constant 112 : i32
      %parallel_loop3A_386 = arith.addi %parallel_loop3A_161, %parallel_loop3A_385 : i32
      %parallel_loop3A_387 = arith.constant 0 : i32
      %parallel_loop3A_388 = tpu.memref_slice %arg6[%parallel_loop3A_387] : memref<49152xi32, #tpu.memory_space<vmem>> -> memref<16384xi32, #tpu.memory_space<vmem>>
      %parallel_loop3A_389 = arith.index_cast %parallel_loop3A_386 : i32 to index
      %parallel_loop3A_390 = tpu.vector_load %parallel_loop3A_388[%parallel_loop3A_389] {strides = array<i32>} : memref<16384xi32, #tpu.memory_space<vmem>>, vector<16xi32>,
      %parallel_loop3A_391 = vector.shape_cast %parallel_loop3A_390 : vector<16xi32> to vector<16xi32>
      %parallel_loop3A_392 = arith.constant 0 : i32
      %parallel_loop3A_393 = tpu.memref_slice %arg5[%parallel_loop3A_392] : memref<49152xf32, #tpu.memory_space<vmem>> -> memref<16384xf32, #tpu.memory_space<vmem>>
      %parallel_loop3A_394 = arith.index_cast %parallel_loop3A_386 : i32 to index
      %parallel_loop3A_395 = tpu.vector_load %parallel_loop3A_393[%parallel_loop3A_394] {strides = array<i32>} : memref<16384xf32, #tpu.memory_space<vmem>>, vector<16xf32>,
      %parallel_loop3A_396 = vector.shape_cast %parallel_loop3A_395 : vector<16xf32> to vector<16xf32>
      %parallel_loop3A_397 = arith.constant -1.000000e+00 : f32
      %parallel_loop3A_398 = vector.broadcast %parallel_loop3A_397 : f32 to vector<16xf32>
      %parallel_loop3A_399 = arith.mulf %parallel_loop3A_396, %parallel_loop3A_398 : vector<16xf32>
      %parallel_loop3A_400 = math.exp %parallel_loop3A_399 : vector<16xf32>
      %parallel_loop3A_401 = arith.constant 1.000000e+00 : f32
      %parallel_loop3A_402 = vector.broadcast %parallel_loop3A_401 : f32 to vector<16xf32>
      %parallel_loop3A_403 = arith.addf %parallel_loop3A_402, %parallel_loop3A_400 : vector<16xf32>
      %parallel_loop3A_404 = arith.constant 1.000000e+00 : f32
      %parallel_loop3A_405 = vector.broadcast %parallel_loop3A_404 : f32 to vector<16xf32>
      %parallel_loop3A_406 = arith.divf %parallel_loop3A_405, %parallel_loop3A_403 : vector<16xf32>
      %parallel_loop3A_407 = arith.addf %parallel_loop3A_345, %parallel_loop3A_406 : vector<16xf32>
      %parallel_loop3A_408 = arith.constant 0 : i32
      %parallel_loop3A_409 = vector.broadcast %parallel_loop3A_408 : i32 to vector<16xi32>
      %parallel_loop3A_410 = arith.cmpi ne, %parallel_loop3A_391, %parallel_loop3A_409 : vector<16xi32>
      %parallel_loop3A_411 = arith.constant 0.000000e+00 : f32
      %parallel_loop3A_412 = vector.broadcast %parallel_loop3A_411 : f32 to vector<16xf32>
      %parallel_loop3A_413 = arith.select %parallel_loop3A_410, %parallel_loop3A_406, %parallel_loop3A_412 : vector<16xi1>, vector<16xf32>
      %parallel_loop3A_414 = arith.addf %parallel_loop3A_352, %parallel_loop3A_413 : vector<16xf32>
      %parallel_loop3A_415 = arith.addi %parallel_loop3A_353, %parallel_loop3A_391 : vector<16xi32>
      scf.yield %parallel_loop3A_376, %parallel_loop3A_383, %parallel_loop3A_384, %parallel_loop3A_407, %parallel_loop3A_414, %parallel_loop3A_415 : vector<16xf32>, vector<16xf32>, vector<16xi32>, vector<16xf32>, vector<16xf32>, vector<16xi32>
    } {sc.loop_unroll_factor = 1 : i64, sc.parallel_access}
    %add3A_147 = arith.addf %parallel_loop3A_146#0, %parallel_loop3A_146#3 : vector<16xf32>
    %swap3A = arith.constant 0 : index
    %swap3A_148 = tpu.vector_load %arg7[%swap3A] {strides = array<i32>} : memref<48xf32, #tpu.memory_space<vmem>>, vector<16xf32>,
    %swap3A_149 = vector.shape_cast %swap3A_148 : vector<16xf32> to vector<16xf32>
    %swap3A_150 = vector.shape_cast %add3A_147 : vector<16xf32> to vector<16xf32>
    tpu.vector_store %arg7[%swap3A], %swap3A_150 {strides = array<i32>} : memref<48xf32, #tpu.memory_space<vmem>>, vector<16xf32>,
    %add3A_151 = arith.addf %parallel_loop3A_146#1, %parallel_loop3A_146#4 : vector<16xf32>
    %swap3A_152 = arith.constant 16 : index
    %swap3A_153 = tpu.vector_load %arg7[%swap3A_152] {strides = array<i32>} : memref<48xf32, #tpu.memory_space<vmem>>, vector<16xf32>,
    %swap3A_154 = vector.shape_cast %swap3A_153 : vector<16xf32> to vector<16xf32>
    %swap3A_155 = vector.shape_cast %add3A_151 : vector<16xf32> to vector<16xf32>
    tpu.vector_store %arg7[%swap3A_152], %swap3A_155 {strides = array<i32>} : memref<48xf32, #tpu.memory_space<vmem>>, vector<16xf32>,
    %add3A_156 = arith.addi %parallel_loop3A_146#2, %parallel_loop3A_146#5 : vector<16xi32>
    %convert_element_type3A = arith.sitofp %add3A_156 : vector<16xi32> to vector<16xf32>
    %swap3A_157 = arith.constant 32 : index
    %swap3A_158 = tpu.vector_load %arg7[%swap3A_157] {strides = array<i32>} : memref<48xf32, #tpu.memory_space<vmem>>, vector<16xf32>,
    %swap3A_159 = vector.shape_cast %swap3A_158 : vector<16xf32> to vector<16xf32>
    %swap3A_160 = vector.shape_cast %convert_element_type3A : vector<16xf32> to vector<16xf32>
    tpu.vector_store %arg7[%swap3A_157], %swap3A_160 {strides = array<i32>} : memref<48xf32, #tpu.memory_space<vmem>>, vector<16xf32>,
    "tpu.region"() ({
      %run_scoped3A = tpu.sem_alloc : memref<!tpu.dma_semaphore, #tpu.memory_space<semaphore_mem>>
      %dma_start3A_161 = arith.constant 0 : i32
      %dma_start3A_162 = tpu.memref_slice %arg4[%add3A, %dma_start3A_161] : memref<32x48xf32, #tpu.memory_space<hbm>> -> memref<1x48xf32, #tpu.memory_space<hbm>>
      %dma_start3A_163 = tpu.memref_squeeze %dma_start3A_162 : memref<1x48xf32, #tpu.memory_space<hbm>> -> memref<48xf32, #tpu.memory_space<hbm>>
      %dma_start3A_164 = arith.constant 0 : i32
      %dma_start3A_165 = tpu.memref_slice %arg4[%add3A, %dma_start3A_164] : memref<32x48xf32, #tpu.memory_space<hbm>> -> memref<1x48xf32, #tpu.memory_space<hbm>>
      %dma_start3A_166 = tpu.memref_squeeze %dma_start3A_165 : memref<1x48xf32, #tpu.memory_space<hbm>> -> memref<48xf32, #tpu.memory_space<hbm>>
      tpu.enqueue_dma source(%arg7 : memref<48xf32, #tpu.memory_space<vmem>>) target(%dma_start3A_166 : memref<48xf32, #tpu.memory_space<hbm>>) target_semaphore(%run_scoped3A : memref<!tpu.dma_semaphore, #tpu.memory_space<semaphore_mem>>)
      %dma_wait3A_167 = arith.constant 0 : i32
      %dma_wait3A_168 = tpu.memref_slice %arg4[%add3A, %dma_wait3A_167] : memref<32x48xf32, #tpu.memory_space<hbm>> -> memref<1x48xf32, #tpu.memory_space<hbm>>
      %dma_wait3A_169 = tpu.memref_squeeze %dma_wait3A_168 : memref<1x48xf32, #tpu.memory_space<hbm>> -> memref<48xf32, #tpu.memory_space<hbm>>
      %dma_wait3A_170 = arith.constant 0 : i32
      %dma_wait3A_171 = tpu.memref_slice %arg4[%add3A, %dma_wait3A_170] : memref<32x48xf32, #tpu.memory_space<hbm>> -> memref<1x48xf32, #tpu.memory_space<hbm>>
      %dma_wait3A_172 = tpu.memref_squeeze %dma_wait3A_171 : memref<1x48xf32, #tpu.memory_space<hbm>> -> memref<48xf32, #tpu.memory_space<hbm>>
      tpu.wait_dma2 semaphore(%run_scoped3A : memref<!tpu.dma_semaphore, #tpu.memory_space<semaphore_mem>>) src(%arg7 : memref<48xf32, #tpu.memory_space<vmem>>) dst(%dma_wait3A_172 : memref<48xf32, #tpu.memory_space<hbm>>)
      tpu.yield
    }) : () -> ()
    return
  }
}

module attributes {stable_mosaic.version = 14 : i64} {
  func.func @_finalize_body(%arg0: memref<32x48xf32, #tpu.memory_space<vmem>>, %arg1: memref<3x8x128xf32, #tpu.memory_space<vmem>>, %arg2: memref<1x1xf32, #tpu.memory_space<vmem>>) attributes {dimension_semantics = [], scalar_prefetch = 0 : i64, scratch_operands = 0 : i64, tpu.core_type = #tpu.core_type<tc>} {
    %get3A = arith.constant 0 : index
    %get3A_0 = arith.constant 0 : index
    %get3A_1 = vector.load %arg0[%get3A, %get3A_0] : memref<32x48xf32, #tpu.memory_space<vmem>>, vector<32x48xf32>
    %get3A_2 = arith.constant 0 : index
    %get3A_3 = arith.constant 0 : index
    %get3A_4 = arith.constant 0 : index
    %get3A_5 = vector.load %arg1[%get3A_2, %get3A_3, %get3A_4] : memref<3x8x128xf32, #tpu.memory_space<vmem>>, vector<3x8x128xf32>
    %slice3A = vector.extract_strided_slice %get3A_1 {offsets = [0, 0], sizes = [32, 16], strides = [1, 1]} : vector<32x48xf32> to vector<32x16xf32>
    %reduce_sum3A = vector.shape_cast %slice3A : vector<32x16xf32> to vector<1x32x16xf32>
    %reduce_sum3A_6 = arith.constant dense<0.000000e+00> : vector<1xf32>
    %reduce_sum3A_7 = vector.multi_reduction <add>, %reduce_sum3A, %reduce_sum3A_6 [1, 2] : vector<1x32x16xf32> to vector<1xf32>
    %reduce_sum3A_8 = vector.shape_cast %reduce_sum3A_7 : vector<1xf32> to vector<1x1x1xf32>
    %reduce_sum3A_9 = vector.extract %reduce_sum3A_8[0, 0, 0] : f32 from vector<1x1x1xf32>
    %slice3A_10 = vector.extract_strided_slice %get3A_5 {offsets = [0, 0, 0], sizes = [1, 8, 128], strides = [1, 1, 1]} : vector<3x8x128xf32> to vector<1x8x128xf32>
    %squeeze3A = vector.shape_cast %slice3A_10 : vector<1x8x128xf32> to vector<8x128xf32>
    %reduce_sum3A_11 = vector.shape_cast %squeeze3A : vector<8x128xf32> to vector<1x8x128xf32>
    %reduce_sum3A_12 = arith.constant dense<0.000000e+00> : vector<1xf32>
    %reduce_sum3A_13 = vector.multi_reduction <add>, %reduce_sum3A_11, %reduce_sum3A_12 [1, 2] : vector<1x8x128xf32> to vector<1xf32>
    %reduce_sum3A_14 = vector.shape_cast %reduce_sum3A_13 : vector<1xf32> to vector<1x1x1xf32>
    %reduce_sum3A_15 = vector.extract %reduce_sum3A_14[0, 0, 0] : f32 from vector<1x1x1xf32>
    %add3A = arith.addf %reduce_sum3A_9, %reduce_sum3A_15 : f32
    %slice3A_16 = vector.extract_strided_slice %get3A_1 {offsets = [0, 16], sizes = [32, 16], strides = [1, 1]} : vector<32x48xf32> to vector<32x16xf32>
    %reduce_sum3A_17 = vector.shape_cast %slice3A_16 : vector<32x16xf32> to vector<1x32x16xf32>
    %reduce_sum3A_18 = arith.constant dense<0.000000e+00> : vector<1xf32>
    %reduce_sum3A_19 = vector.multi_reduction <add>, %reduce_sum3A_17, %reduce_sum3A_18 [1, 2] : vector<1x32x16xf32> to vector<1xf32>
    %reduce_sum3A_20 = vector.shape_cast %reduce_sum3A_19 : vector<1xf32> to vector<1x1x1xf32>
    %reduce_sum3A_21 = vector.extract %reduce_sum3A_20[0, 0, 0] : f32 from vector<1x1x1xf32>
    %slice3A_22 = vector.extract_strided_slice %get3A_5 {offsets = [1, 0, 0], sizes = [1, 8, 128], strides = [1, 1, 1]} : vector<3x8x128xf32> to vector<1x8x128xf32>
    %squeeze3A_23 = vector.shape_cast %slice3A_22 : vector<1x8x128xf32> to vector<8x128xf32>
    %reduce_sum3A_24 = vector.shape_cast %squeeze3A_23 : vector<8x128xf32> to vector<1x8x128xf32>
    %reduce_sum3A_25 = arith.constant dense<0.000000e+00> : vector<1xf32>
    %reduce_sum3A_26 = vector.multi_reduction <add>, %reduce_sum3A_24, %reduce_sum3A_25 [1, 2] : vector<1x8x128xf32> to vector<1xf32>
    %reduce_sum3A_27 = vector.shape_cast %reduce_sum3A_26 : vector<1xf32> to vector<1x1x1xf32>
    %reduce_sum3A_28 = vector.extract %reduce_sum3A_27[0, 0, 0] : f32 from vector<1x1x1xf32>
    %add3A_29 = arith.addf %reduce_sum3A_21, %reduce_sum3A_28 : f32
    %slice3A_30 = vector.extract_strided_slice %get3A_1 {offsets = [0, 32], sizes = [32, 16], strides = [1, 1]} : vector<32x48xf32> to vector<32x16xf32>
    %reduce_sum3A_31 = vector.shape_cast %slice3A_30 : vector<32x16xf32> to vector<1x32x16xf32>
    %reduce_sum3A_32 = arith.constant dense<0.000000e+00> : vector<1xf32>
    %reduce_sum3A_33 = vector.multi_reduction <add>, %reduce_sum3A_31, %reduce_sum3A_32 [1, 2] : vector<1x32x16xf32> to vector<1xf32>
    %reduce_sum3A_34 = vector.shape_cast %reduce_sum3A_33 : vector<1xf32> to vector<1x1x1xf32>
    %reduce_sum3A_35 = vector.extract %reduce_sum3A_34[0, 0, 0] : f32 from vector<1x1x1xf32>
    %slice3A_36 = vector.extract_strided_slice %get3A_5 {offsets = [2, 0, 0], sizes = [1, 8, 128], strides = [1, 1, 1]} : vector<3x8x128xf32> to vector<1x8x128xf32>
    %squeeze3A_37 = vector.shape_cast %slice3A_36 : vector<1x8x128xf32> to vector<8x128xf32>
    %reduce_sum3A_38 = vector.shape_cast %squeeze3A_37 : vector<8x128xf32> to vector<1x8x128xf32>
    %reduce_sum3A_39 = arith.constant dense<0.000000e+00> : vector<1xf32>
    %reduce_sum3A_40 = vector.multi_reduction <add>, %reduce_sum3A_38, %reduce_sum3A_39 [1, 2] : vector<1x8x128xf32> to vector<1xf32>
    %reduce_sum3A_41 = vector.shape_cast %reduce_sum3A_40 : vector<1xf32> to vector<1x1x1xf32>
    %reduce_sum3A_42 = vector.extract %reduce_sum3A_41[0, 0, 0] : f32 from vector<1x1x1xf32>
    %add3A_43 = arith.addf %reduce_sum3A_35, %reduce_sum3A_42 : f32
    %sub3A = arith.constant 0x4A800000 : f32
    %sub3A_44 = arith.subf %sub3A, %add3A_43 : f32
    %sub3A_45 = arith.subf %add3A, %add3A_29 : f32
    %div3A = arith.divf %sub3A_45, %sub3A_44 : f32
    %div3A_46 = arith.divf %add3A_29, %add3A_43 : f32
    %sub3A_47 = arith.subf %div3A, %div3A_46 : f32
    %max3A = arith.constant 0.000000e+00 : f32
    %max3A_48 = arith.maximumf %sub3A_47, %max3A : f32
    %broadcast_in_dim3A = vector.broadcast %max3A_48 : f32 to vector<1x1xf32>
    %swap3A = arith.constant 0 : index
    %swap3A_49 = arith.constant 0 : index
    %swap3A_50 = vector.load %arg2[%swap3A, %swap3A_49] : memref<1x1xf32, #tpu.memory_space<vmem>>, vector<1x1xf32>
    tpu.vector_store %arg2[%swap3A, %swap3A_49], %broadcast_in_dim3A {strides = array<i32>} : memref<1x1xf32, #tpu.memory_space<vmem>>, vector<1x1xf32>,
    return
  }
}

module attributes {stable_mosaic.version = 14 : i64} {
  func.func @_tc_partial_body(%arg0: i32, %arg1: memref<8x32768xf32, #tpu.memory_space<vmem>>, %arg2: memref<8x32768xi32, #tpu.memory_space<vmem>>, %arg3: memref<3x8x128xf32, #tpu.memory_space<vmem>>) attributes {dimension_semantics = [#tpu.dimension_semantics<arbitrary>], iteration_bounds = array<i64: 8>, scalar_prefetch = 0 : i64, scratch_operands = 0 : i64, tpu.core_type = #tpu.core_type<tc>, window_params = [{transform_indices = @transform_0, window_bounds = array<i64: 8, 32768>}, {transform_indices = @transform_1, window_bounds = array<i64: 8, 32768>}, {pipeline_mode = #tpu.pipeline_mode<synchronous>, transform_indices = @transform_2, window_bounds = array<i64: 3, 8, 128>}]} {
    %get3A = arith.constant 0 : index
    %get3A_0 = arith.constant 0 : index
    %get3A_1 = vector.load %arg1[%get3A, %get3A_0] : memref<8x32768xf32, #tpu.memory_space<vmem>>, vector<8x32768xf32>
    %get3A_2 = arith.constant 0 : index
    %get3A_3 = arith.constant 0 : index
    %get3A_4 = vector.load %arg2[%get3A_2, %get3A_3] : memref<8x32768xi32, #tpu.memory_space<vmem>>, vector<8x32768xi32>
    %convert_element_type3A = arith.sitofp %get3A_4 : vector<8x32768xi32> to vector<8x32768xf32>
    %neg3A = arith.constant 0.000000e+00 : f32
    %neg3A_5 = vector.broadcast %neg3A : f32 to vector<8x32768xf32>
    %neg3A_6 = arith.subf %neg3A_5, %get3A_1 : vector<8x32768xf32>
    %exp3A = math.exp %neg3A_6 : vector<8x32768xf32>
    %add3A = arith.constant 1.000000e+00 : f32
    %add3A_7 = vector.broadcast %add3A : f32 to vector<8x32768xf32>
    %add3A_8 = arith.addf %add3A_7, %exp3A : vector<8x32768xf32>
    %div3A = arith.constant 1.000000e+00 : f32
    %div3A_9 = vector.broadcast %div3A : f32 to vector<8x32768xf32>
    %div3A_10 = arith.divf %div3A_9, %add3A_8 : vector<8x32768xf32>
    %reshape3A = vector.shape_cast %div3A_10 : vector<8x32768xf32> to vector<8x256x128xf32>
    %reduce_sum3A = arith.constant dense<0.000000e+00> : vector<8x128xf32>
    %reduce_sum3A_11 = vector.multi_reduction <add>, %reshape3A, %reduce_sum3A [1] : vector<8x256x128xf32> to vector<8x128xf32>
    %mul3A = arith.mulf %div3A_10, %convert_element_type3A : vector<8x32768xf32>
    %reshape3A_12 = vector.shape_cast %mul3A : vector<8x32768xf32> to vector<8x256x128xf32>
    %reduce_sum3A_13 = arith.constant dense<0.000000e+00> : vector<8x128xf32>
    %reduce_sum3A_14 = vector.multi_reduction <add>, %reshape3A_12, %reduce_sum3A_13 [1] : vector<8x256x128xf32> to vector<8x128xf32>
    %reshape3A_15 = vector.shape_cast %convert_element_type3A : vector<8x32768xf32> to vector<8x256x128xf32>
    %reduce_sum3A_16 = arith.constant dense<0.000000e+00> : vector<8x128xf32>
    %reduce_sum3A_17 = vector.multi_reduction <add>, %reshape3A_15, %reduce_sum3A_16 [1] : vector<8x256x128xf32> to vector<8x128xf32>
    %stack3A = vector.shape_cast %reduce_sum3A_11 : vector<8x128xf32> to vector<1x8x128xf32>
    %stack3A_18 = vector.shape_cast %reduce_sum3A_14 : vector<8x128xf32> to vector<1x8x128xf32>
    %stack3A_19 = vector.shape_cast %reduce_sum3A_17 : vector<8x128xf32> to vector<1x8x128xf32>
    %stack3A_20 = tpu.concatenate %stack3A, %stack3A_18, %stack3A_19 in 0 : vector<1x8x128xf32>, vector<1x8x128xf32>, vector<1x8x128xf32> -> vector<3x8x128xf32>
    %eq3A = arith.constant 0 : i32
    %eq3A_21 = arith.cmpi eq, %arg0, %eq3A : i32
    %convert_element_type3A_22 = arith.extui %eq3A_21 : i1 to i32
    %cond3A = arith.constant 0 : i32
    %cond3A_23 = arith.cmpi ne, %convert_element_type3A_22, %cond3A : i32
    scf.if %cond3A_23 {
      %swap3A = arith.constant 0 : index
      %swap3A_28 = arith.constant 0 : index
      %swap3A_29 = arith.constant 0 : index
      %swap3A_30 = vector.load %arg3[%swap3A, %swap3A_28, %swap3A_29] : memref<3x8x128xf32, #tpu.memory_space<vmem>>, vector<3x8x128xf32>
      tpu.vector_store %arg3[%swap3A, %swap3A_28, %swap3A_29], %stack3A_20 {strides = array<i32>} : memref<3x8x128xf32, #tpu.memory_space<vmem>>, vector<3x8x128xf32>,
    } else {
    }
    %ne3A = arith.constant 0 : i32
    %ne3A_24 = arith.cmpi ne, %arg0, %ne3A : i32
    %convert_element_type3A_25 = arith.extui %ne3A_24 : i1 to i32
    %cond3A_26 = arith.constant 0 : i32
    %cond3A_27 = arith.cmpi ne, %convert_element_type3A_25, %cond3A_26 : i32
    scf.if %cond3A_27 {
      %get3A_28 = arith.constant 0 : index
      %get3A_29 = arith.constant 0 : index
      %get3A_30 = arith.constant 0 : index
      %get3A_31 = vector.load %arg3[%get3A_28, %get3A_29, %get3A_30] : memref<3x8x128xf32, #tpu.memory_space<vmem>>, vector<3x8x128xf32>
      %add3A_32 = arith.addf %get3A_31, %stack3A_20 : vector<3x8x128xf32>
      %swap3A = arith.constant 0 : index
      %swap3A_33 = arith.constant 0 : index
      %swap3A_34 = arith.constant 0 : index
      %swap3A_35 = vector.load %arg3[%swap3A, %swap3A_33, %swap3A_34] : memref<3x8x128xf32, #tpu.memory_space<vmem>>, vector<3x8x128xf32>
      tpu.vector_store %arg3[%swap3A, %swap3A_33, %swap3A_34], %add3A_32 {strides = array<i32>} : memref<3x8x128xf32, #tpu.memory_space<vmem>>, vector<3x8x128xf32>,
    } else {
    }
    return
  }
  func.func @transform_0(%arg0: i32) -> (i32, i32) {
    %add3A = arith.constant 8 : i32
    %add3A_0 = arith.addi %arg0, %add3A : i32
    %c0_i32 = arith.constant 0 : i32
    %c0_i32_1 = arith.constant 0 : i32
    return %add3A_0, %c0_i32 : i32, i32
  }
  func.func @transform_1(%arg0: i32) -> (i32, i32) {
    %add3A = arith.constant 8 : i32
    %add3A_0 = arith.addi %arg0, %add3A : i32
    %c0_i32 = arith.constant 0 : i32
    %c0_i32_1 = arith.constant 0 : i32
    return %add3A_0, %c0_i32 : i32, i32
  }
  func.func @transform_2(%arg0: i32) -> (i32, i32, i32) {
    %c0_i32 = arith.constant 0 : i32
    %c0_i32_0 = arith.constant 0 : i32
    %c0_i32_1 = arith.constant 0 : i32
    %c0_i32_2 = arith.constant 0 : i32
    return %c0_i32, %c0_i32_0, %c0_i32_1 : i32, i32, i32
  }
}

</mosaic_0001>

<sc_bundles>
// kernel: kernel.5.cloned.1.call-start
scs
__scs_entry_jumppad:
0x0: {  	(pc) =	sbr.rel $0x88, $3  }
0x1: {  	(tag) =	ssettag $0x0;
	lr =	simm.s32 $0x1  }
0x2: {  	[smem:$0x3F9F] =	sst lr;
	_ =	strace $0xD0000000  }
0x3: {  	_ = 	snop  }
0x4: {  	_ = 	snop  }
0x5: {  	_ = 	snop  }
0x6: {  	_ = 	snop  }
0x7: {  	_ = 	snop  }
__scs_overlays_trampoline_lowered:
0x8: {  	[smem:$0x3FAE] =	sst s0  }
0x9: {  	[smem:$0x3FAF] =	sst s1  }
0xa: {  	[smem:$0x3FB0] =	sst s2  }
0xb: {  	[smem:$0x3FB1] =	sst s3  }
0xc: {  	[smem:$0x3FB2] =	sst s4  }
0xd: {  	[smem:$0x3FB3] =	sst s5  }
0xe: {  	[smem:$0x3FB4] =	sst s6  }
0xf: {  	[smem:$0x3FB5] =	sst s7  }
0x10: {  	[smem:$0x3FB6] =	sst s8  }
0x11: {  	[smem:$0x3FB7] =	sst s9;
	s0 =	simm.s32 @!p0 $0x0  }
0x12: {  	s1 =	sld [smem:$0x3F9D];
	s0 =	simm.s32 @p0 $0x1  }
0x13: {  	[smem:$0x3FB8] =	sst s0;
	s0 =	simm.s32 @!p1 $0x0  }
0x14: {  	s2 =	sld [smem:$0x3F9C];
	s0 =	simm.s32 @p1 $0x1  }
0x15: {  	[smem:$0x3FB9] =	sst s0;
	s0 =	simm.s32 @!p2 $0x0  }
0x16: {  	s3 =	sld [smem:$0x3FDB];
	s0 =	simm.s32 @p2 $0x1  }
0x17: {  	s4 =	simm.s32 $0x1BF5;
	[smem:$0x3FBB] =	sst s0  }
0x18: {  	s0 =	sld [smem:$0x3F9E];
	_ =	swait.ge [sflag:s4], $0x0  }
0x19: {  	s7 =	sld [smem:$0x3F9F]  }
0x1a: {  	s8 =	sadd.s32 $0xFFFFE003, lr  }
0x1b: {  	s9 =	sadd.s32 $0xFFFFFEF7, lr;
	s5 =	simm.s32 $0xFFFFFFFF;
	p2 =	slt.u32 s8, $0xFFFFF086  }
0x1c: {  	p1 =	slt.u32 s9, $0xF7A;
	s5 =	simm.s32 @!p2 $0x0  }
0x1d: {  	s5 =	simm.s32 @p1 $0x1;
	p0 =	seq.s32 s7, s2  }
0x1e: {  	s7 =	smul.u32 @!p0 $0xF7A, s2;
	p2 =	seq.s32 @!p0 s5, $0x0  }
0x1f: {  	s9 =	smul.u32 $0xF7A, s1;
	s8 =	simm.s32 @!p0 $0x1BF5;
	p2 =	por !p2, p0  }
0x20: {  	[sflag:s8] =	ssyncset.s32 @!p0 $0xFFFFF086;
	s6 =	sadd.s32 @!p0 s3, s7;
	s7 =	simm.s32 @!p0 $0x108  }
0x21: {  	s3 =	sadd.s32 s3, s9;
	s6 =	sadd.s32 @!p0 $0x88, s6;
	s7 =	simm.s32 @p2 $0x1082  }
0x22: {  	[simem:s7], [sflag:s8] =	dma.local @!p0 [hbm:s6], $0xF7A  }
0x23: {  	s9 =	sor.u32 $0xD0000000, s2;
	s6 =	simm.s32 $0x108;
	_ =	swait.ge @!p0 [sflag:s8], $0x0  }
0x24: {  	s3 =	sadd.s32 $0x88, s3;
	s6 =	simm.s32 @!p1 $0x1082;
	[sflag:s4] =	ssyncset.s32 $0xFFFFF086  }
0x25: {  	[simem:s6], [sflag:s4] =	dma.local [hbm:s3], $0xF7A  }
0x26: {  	[smem:$0x3F9F] =	sst s1;
	(tag) =	ssettag s2;
	_ =	strace s9  }
0x27: {  	s1 =	sld [smem:$0x3FAF]  }
0x28: {  	s2 =	sld [smem:$0x3FB0]  }
0x29: {  	s4 =	sld [smem:$0x3FB2]  }
0x2a: {  	p0 =	seq.s32 s5, $0x0;
	s5 =	sld [smem:$0x3FB3]  }
0x2b: {  	s6 =	sld [smem:$0x3FB4]  }
0x2c: {  	s7 =	sld [smem:$0x3FB5]  }
0x2d: {  	s3 =	simm.s32 $0x108;
	s8 =	sld [smem:$0x3FB6]  }
0x2e: {  	s3 =	simm.s32 @!p0 $0x1082;
	s9 =	sld [smem:$0x3FB7]  }
0x2f: {  	lr =	sadd.s32 s0, s3;
	s0 =	sld [smem:$0x3FAE]  }
0x30: {  	s3 =	sld [smem:$0x3FB1]  }
0x31: {  	[smem:$0x3FBA] =	sst s10  }
0x32: {  	s10 =	sld [smem:$0x3FB8];
	_ =	sdelay $0x3  }
0x33: {  	p0 =	seq.s32 s10, $0x1;
	s10 =	sld [smem:$0x3FBA];
	_ =	sdelay $0x3  }
0x34: {  	[smem:$0x3FBA] =	sst s10  }
0x35: {  	s10 =	sld [smem:$0x3FB9];
	_ =	sdelay $0x3  }
0x36: {  	p1 =	seq.s32 s10, $0x1;
	s10 =	sld [smem:$0x3FBA];
	_ =	sdelay $0x3  }
0x37: {  	[smem:$0x3FBA] =	sst s10  }
0x38: {  	s10 =	sld [smem:$0x3FBB]  }
0x39: {  	_ = 	snop;
	(pc) =	sbr.ind lr, $3  }
0x3a: {  	_ = 	snop  }
0x3b: {  	_ = 	snop  }
0x3c: {  	p2 =	seq.s32 s10, $0x1;
	s10 =	sld [smem:$0x3FBA]  }
0x3d: {  	_ =	shalt  }
0x3e: {  	_ =	shalt  }
0x3f: {  	_ =	shalt  }
0x40: {  	_ =	shalt  }
0x41: {  	_ =	shalt  }
0x42: {  	_ =	shalt  }
0x43: {  	_ =	shalt  }
0x44: {  	_ =	shalt  }
0x45: {  	_ =	shalt  }
0x46: {  	_ =	shalt  }
0x47: {  	_ =	shalt  }
0x48: {  	_ =	shalt  }
0x49: {  	_ =	shalt  }
0x4a: {  	_ =	shalt  }
0x4b: {  	_ =	shalt  }
0x4c: {  	_ =	shalt  }
0x4d: {  	_ =	shalt  }
0x4e: {  	_ =	shalt  }
0x4f: {  	_ =	shalt  }
0x50: {  	_ =	shalt  }
0x51: {  	_ =	shalt  }
0x52: {  	_ =	shalt  }
0x53: {  	_ =	shalt  }
0x54: {  	_ =	shalt  }
0x55: {  	_ =	shalt  }
0x56: {  	_ =	shalt  }
0x57: {  	_ =	shalt  }
0x58: {  	_ =	shalt  }
0x59: {  	_ =	shalt  }
0x5a: {  	_ =	shalt  }
0x5b: {  	_ =	shalt  }
0x5c: {  	_ =	shalt  }
0x5d: {  	_ =	shalt  }
0x5e: {  	_ =	shalt  }
0x5f: {  	_ =	shalt  }
0x60: {  	_ =	shalt  }
0x61: {  	_ =	shalt  }
0x62: {  	_ =	shalt  }
0x63: {  	_ =	shalt  }
0x64: {  	_ =	shalt  }
0x65: {  	_ =	shalt  }
0x66: {  	_ =	shalt  }
0x67: {  	_ =	shalt  }
0x68: {  	_ =	shalt  }
0x69: {  	_ =	shalt  }
0x6a: {  	_ =	shalt  }
0x6b: {  	_ =	shalt  }
0x6c: {  	_ =	shalt  }
0x6d: {  	_ =	shalt  }
0x6e: {  	_ =	shalt  }
0x6f: {  	_ =	shalt  }
0x70: {  	_ =	shalt  }
0x71: {  	_ =	shalt  }
0x72: {  	_ =	shalt  }
0x73: {  	_ =	shalt  }
0x74: {  	_ =	shalt  }
0x75: {  	_ =	shalt  }
0x76: {  	_ =	shalt  }
0x77: {  	_ =	shalt  }
0x78: {  	_ =	shalt  }
0x79: {  	_ =	shalt  }
0x7a: {  	_ =	shalt  }
0x7b: {  	_ =	shalt  }
0x7c: {  	_ =	shalt  }
0x7d: {  	_ =	shalt  }
0x7e: {  	_ =	shalt  }
0x7f: {  	_ =	shalt  }
0x80: {  	_ =	shalt  }
0x81: {  	_ =	shalt  }
0x82: {  	_ =	shalt  }
0x83: {  	_ =	shalt  }
0x84: {  	_ =	shalt  }
0x85: {  	_ =	shalt  }
0x86: {  	_ =	shalt  }
0x87: {  	_ =	shalt  }
.Lfunc_end0:
.L_simem_size_0:
called_computation_lowered:
.L_overlay_start_0:
0x88: {  	s2 =	sld [smem:$0x3FD9]  }
0x89: {  	s3 =	sld [smem:$0x3FFE];
	_ =	sdelay $0x1  }
0x8a: {  	s1 =	srdreg.scid  }
0x8b: {  	s0 =	sand.u32 $0x1, s1  }
0x8c: {  	s17 =	sshll.u32 s0, $0xA;
	s2 =	sadd.s32 s3, s2  }
0x8d: {  	s2 =	sadd.s32 s2, s17  }
0x8e: {  	[smem:$0x3FC6] =	sst s2  }
0x8f: {  	_ = 	snop  }
0x90: {  	s2 =	sld [smem:$0x3FC9]  }
0x91: {  	s18 =	sld [smem:$0x3FC8];
	(tm) =	ssettm $0x1  }
0x92: {  	s4 =	sld [smem:$0x3FFB];
	_ =	sdelay $0x3  }
0x93: {  	_ =	strace s4  }
0x94: {  	s4 =	sld [smem:$0x3FFC];
	_ =	sdelay $0x3  }
0x95: {  	_ =	strace s4  }
0x96: {  	s4 =	sld [smem:$0x3FFD];
	_ =	sdelay $0x3  }
0x97: {  	_ =	strace s4  }
0x98: {  	_ =	strace $0x8FFFFFFF  }
0x99: {  	s19 =	sld [smem:$0x3FDB];
	_ =	sdelay $0x1  }
0x9a: {  	s5 =	simm.s32 $_scs_section_size  }
0x9b: {  	s6 =	simm.s32 $_size__tile_overlayer_lowered;
	s7 =	simm.s32 $_tile_overlayer_lowered  }
0x9c: {  	s22 =	simm.s32 $0x1BFF;
	s21 =	sshll.u32 s7, $0x1;
	s4 =	sadd.s32 s5, s19  }
0x9d: {  	s8 =	simm.s32 $0x0;
	s20 =	sshll.u32 s6, $0x1;
	s6 =	sadd.s32 s21, s4  }
0x9e: {  	[timem:s8], [sflag:s22] =	dma.local [hbm:s6], s20  }
0x9f: {  	_ =	swait.ge [sflag:s22], s20  }
0xa0: {  	s5 =	ssub.s32 $0x0, s20;
	[sflag:s22] =	ssyncset.done $0x0  }
0xa1: {  	[sflag:s22] =	ssyncadd.s32 s5;
	_ =	sdelay $0x1  }
0xa2: {  	s23 =	simm.s32 $0x1B8B  }
0xa3: {  	_ =	swait.ge [sflag:s23], $0x1  }
0xa4: {  	[sflag:s23] =	ssyncset.done $0x0  }
0xa5: {  	s25 =	simm.s32 $0x1B8E;
	s24 =	sld [smem:$0x3FFE];
	[sflag:s23] =	ssyncadd.s32 $0xFFFFFFFF  }
0xa6: {  	s26 =	simm.s32 $execute0_lowered;
	[smem:$0x3FD2] =	sst s25  }
0xa7: {  	s6 =	sshll.u32 s26, $0x1;
	_ =	strace $0x80000046;
	[dreg:$0x1] =	wrdreg $0xFFFFFFFF  }
0xa8: {  	s28 =	simm.s32 $_size_execute0_lowered;
	s4 =	sadd.s32 s4, s6;
	[dreg:$0x0] =	wrdreg $0x0  }
0xa9: {  	s6 =	sshll.u32 s28, $0x1;
	[dreg:$0x2] =	wrdreg s4  }
0xaa: {  	[dreg:$0x3] =	wrdreg s6  }
0xab: {  	[dreg:$0x4] =	wrdreg $0xC0  }
0xac: {  	_ =	task [dreg:s8], $0x5FFFF  }
0xad: {  	[dreg:$0x1] =	wrdreg $0xFFFFFFFF  }
0xae: {  	[dreg:$0x0] =	wrdreg $0x60  }
0xaf: {  	[dreg:$0x2] =	wrdreg s2  }
0xb0: {  	[dreg:$0x3] =	wrdreg s18  }
0xb1: {  	[dreg:$0x4] =	wrdreg s24  }
0xb2: {  	[dreg:$0x5] =	wrdreg $0x9  }
0xb3: {  	_ =	task.clear_ibuf [dreg:s8], $0x6FFFF;
	_ =	strace $0x90000046  }
0xb4: {  	s29 =	simm.s32 $0x9;
	_ =	strace $0x80000048  }
0xb5: {  	_ =	swait.ge [sflag:s29], $0x1  }
0xb6: {  	[sflag:s29] =	ssyncadd.s32 $0xFFFFFFFF  }
0xb7: {  	_ =	strace $0x90000048  }
0xb8: {  	_ =	sfence  }
0xb9: {  	s30 =	sld [smem:$0x0];
	_ =	sdelay $0x2  }
0xba: {  	s31 =	sshll.u32 s1, $0xD;
	s1 =	sshrl.u32 s1, $0x2  }
0xbb: {  	s3 =	sand.u32 $0x4000, s31;
	s1 =	sadd.s32 s1, s30  }
0xbc: {  	s0 =	sor.u32 s3, s0;
	s1 =	sshll.u32 s1, $0x11  }
0xbd: {  	s0 =	sor.u32 s1, s0  }
0xbe: {  	s0 =	sadd.s32 $0x8F2B, s0  }
0xbf: {  	[sflag:s0] =	ssyncadd.remote.s32 $0x1  }
0xc0: {  	_ =	sfence.sel $0xFFFF  }
0xc1: {  	[dreg:$0x0] =	wrdreg $0xFFFFFFFF;
	(pc) =	sbr.abs _section_cstart, $3  }
0xc2: {  	[dreg:$0x1] =	wrdreg $0xFFFFFFFF  }
0xc3: {  	_ =	task.clear_ibuf [dreg:s8], $0x2FFFF;
	_ =	strace $0x9FFFFFFF  }
0xc4: {  	(tm) =	ssettm $0x7FFFFFFF  }
0xc5: {  	_ =	shalt  }
tec
execute0_lowered:
.L_overlay_start_1:
0x0: {  	(tag) =	ssettag $0x1  }
0x1: {  	s1 =	rddreg [dreg:$0x0]  }
0x2: {  	s3 =	rddreg [dreg:$0x1]  }
0x3: {  	s5 =	rddreg [dreg:$0x2]  }
0x4: {  	s0 =	rddreg [dreg:$0x3]  }
0x5: {  	s6 =	srdreg.scid;
	s2 =	stileid.u32;
	s4 =	simm.s32 $0x0  }
0x6: {  	s17 =	simm.s32 $0x4000;
	s18 =	simm.s32 $0x10000;
	s19 =	simm.s32 $0x1  }
0x7: {  	s20 =	simm.s32 $0x2;
	s21 =	simm.s32 $0x3;
	s22 =	simm.s32 $0x18000  }
0x8: {  	s23 =	simm.s32 $0x4;
	s8 =	sand.u32 $0x1, s6;
	s24 =	sshll.u32 s2, $0x1  }
0x9: {  	[smem:$0x7FF] =	sst s4;
	s10 =	sshll.u32 s2, $0xE;
	s15 =	sshll.u32 s2, $0x6  }
0xa: {  	s6 =	sor.u32 s8, s24;
	_ =	strace $0x80000047;
	s9 =	ssub.s32 $0x2, s8  }
0xb: {  	s12 =	sand.u32 $0x38000, s10;
	s16 =	sshll.u32 s8, $0x5;
	s24 =	simm.s32 $0x0  }
0xc: {  	s7 =	sshll.u32 s6, $0x4;
	s6 =	sshll.u32 s6, $0x5;
	s11 =	sshrl.u32 s9, $0x1  }
0xd: {  	s28 =	sor.u32 s16, s15;
	s29 =	sadd.s32 s12, s1;
	s30 =	sadd.s32 s12, s3  }
0xe: {  	s16 =	simm.s32 $0xC000;
	s13 =	sand.u32 $0x60, s6;
	s14 =	sadd.s32 s7, s5  }
0xf: {  	s11 =	ssub.s32 s9, s11;
	s15 =	sand.u32 $0x60, s28;
	s25 =	sor.u32 s12, s13  }
0x10: {  	s13 =	sor.u32 s10, s13;
	s9 =	sadd.s32 $0x800, s14;
	s10 =	smax.u32 s11, $0x1  }
0x11: {  	s14 =	sadd.s32 s15, s29;
	s31 =	sadd.s32 s15, s30;
	s15 =	simm.s32 $0x400  }
0x12: {  	s5 =	sadd.s32 s1, s25;
	s6 =	sadd.s32 s3, s25;
	s26 =	sor.u32 $0x4000, s25  }
0x13: {  	s11 =	sor.u32 $0x4010, s13;
	s12 =	sadd.s32 $0x10, s14;
	s13 =	sadd.s32 $0x10, s31  }
0x14: {  	s14 =	simm.s32 $0x80;
	s7 =	sadd.s32 s1, s26;
	s8 =	sadd.s32 s3, s26  }
.LBB2_1:
0x15: {  	[tilespmem:s4], [sflag:$0x1] =	stream.strided.gather [hbm4b:s5+s14], $0x4000, s15, s14, $0x38;
	[tilespmem:$0x18080] =	vst v63  }
0x16: {  	_ = 	snop  }
0x17: {  	[tilespmem:s16], [sflag:$0x1] =	stream.strided.gather [hbm4b:s6+s14], $0x4000, s15, s14, $0x38;
	[tilespmem:$0x18080] =	vst v63  }
0x18: {  	_ = 	snop  }
0x19: {  	[tilespmem:s17], [sflag:$0x2] =	stream.strided.gather [hbm4b:s7+s14], $0x4000, s15, s14, $0x38;
	[tilespmem:$0x18080] =	vst v63  }
0x1a: {  	_ = 	snop  }
0x1b: {  	[tilespmem:s18], [sflag:$0x2] =	stream.strided.gather [hbm4b:s8+s14], $0x4000, s15, s14, $0x38;
	[tilespmem:$0x18080] =	vst v63  }
0x1c: {  	_ =	swait.ge [sflag:s19], $0x4000  }
0x1d: {  	[sflag:s19] =	ssyncset.done $0x0  }
0x1e: {  	[sflag:s19] =	ssyncadd.s32 $0xFFFFC000  }
0x1f: {  	_ =	swait.ge [sflag:s19], $0x4000  }
0x20: {  	[sflag:s19] =	ssyncset.done $0x0  }
0x21: {  	s25 =	simm.s32 $0x8000;
	s26 =	sadd.s32 $0x0, s12;
	[sflag:s19] =	ssyncadd.s32 $0xFFFFC000  }
0x22: {  	[tilespmem:s25], [sflag:$0x3] =	stream.linear.gather [hbm4b:s26+s4], $0x80, $0x38;
	[tilespmem:$0x18080] =	vst v63  }
0x23: {  	s30 =	simm.s32 $0x0;
	s31 =	simm.s32 $0x14000;
	s28 =	sadd.s32 $0x0, s13  }
0x24: {  	[tilespmem:s31], [sflag:$0x3] =	stream.linear.gather [hbm4b:s28+s4], $0x80, $0x38;
	[tilespmem:$0x18080] =	vst v63  }
0x25: {  	v0 =	vld [tilespmem:s30+$0x60]  }
0x26: {  	v2 =	vld [tilespmem:s30+$0x40]  }
0x27: {  	v3 =	vld [tilespmem:s30+$0x20];
	_ =	sdelay $0x2  }
0x28: {  	v4 =	vld [tilespmem:s30+$0x10];
	v0 =	vmul.f32 $-1.442695020e+00, v0  }
0x29: {  	v5 =	vld [tilespmem:s30+$0x50];
	v2 =	vmul.f32 $-1.442695020e+00, v2  }
0x2a: {  	v6 =	vld [tilespmem:s30+$0x30];
	v3 =	vmul.f32 $-1.442695020e+00, v3;
	(erf) = vpow2.f32 v0  }
0x2b: {  	v7 =	vld [tilespmem:s30+$0x0];
	(erf) = vpow2.f32 v2  }
0x2c: {  	v1 =	vld [tilespmem:s30+$0xC020];
	(erf) = vpow2.f32 v3  }
0x2d: {  	v8 =	vld [tilespmem:s30+$0xC000];
	v2 =	vmul.f32 $-1.442695020e+00, v4  }
0x2e: {  	v9 =	vld [tilespmem:s30+$0x70];
	v4 =	vmul.f32 $-1.442695020e+00, v5  }
0x2f: {  	v13 =	vld [tilespmem:s30+$0xC040];
	v3 =	vmul.f32 $-1.442695020e+00, v6;
	(erf) = vpow2.f32 v2  }
0x30: {  	v10 =	vld [tilespmem:s30+$0xC050];
	v2 =	vmul.f32 $-1.442695020e+00, v7;
	(erf) = vpow2.f32 v4  }
0x31: {  	v0 =	vld [tilespmem:s30+$0xC060];
	(erf) = vpow2.f32 v3  }
0x32: {  	v5 =	vld [tilespmem:s30+$0xC010];
	(erf) = vpow2.f32 v2  }
0x33: {  	s26 =	simm.s32 $0x8080;
	s28 =	sadd.s32 $0x80, s12;
	v7 =	vld [tilespmem:s30+$0xC070];
	v11 =	vpop (erf)  }
0x34: {  	v4 =	vld [tilespmem:s30+$0xC030];
	[tilespmem:s26], [sflag:$0x3] =	stream.linear.gather [hbm4b:s28+s4], $0x80, $0x38;
	v3 =	vmul.f32 $-1.442695020e+00, v9;
	v9 =	vpop (erf)  }
0x35: {  	s29 =	simm.s32 $0x80;
	s31 =	sadd.s32 $0x80, s13;
	v6 =	vimm.s32 $0x0;
	s30 =	simm.s32 $0x14080;
	v9 =	vadd.f32 $1.000000000e+00, v9;
	v14 =	vpop (erf)  }
0x36: {  	v2 =	vadd.s32 v6, v8;
	[tilespmem:s30], [sflag:$0x3] =	stream.linear.gather [hbm4b:s31+s4], $0x80, $0x38;
	v14 =	vadd.f32 $1.000000000e+00, v14;
	[tilespmem:$0x18080] =	vst v63  }
0x37: {  	v12 =	vadd.s32 v1, v2;
	v2 =	vld [tilespmem:s29+$0xC020]  }
0x38: {  	vm2 =	veq.s32 v1, $0x0;
	v17 =	vld [tilespmem:s29+$0x60];
	(erf) = vpow2.f32 v3;
	v16 =	vpop (erf)  }
0x39: {  	vm4 =	veq.s32 v8, $0x0;
	v6 =	vadd.s32 v6, v5;
	v3 =	vld [tilespmem:s29+$0xC000];
	(erf) = vrcp.f32 v9;
	v9 =	vpop (erf)  }
0x3a: {  	vm1 =	veq.s32 v5, $0x0;
	v18 =	vld [tilespmem:s29+$0x40];
	(erf) = vrcp.f32 v14;
	v9 =	vadd.f32 $1.000000000e+00, v9;
	v14 =	vpop (erf)  }
0x3b: {  	v20 =	vld [tilespmem:s29+$0x50];
	v15 =	vadd.s32 v13, v12;
	v19 =	vadd.f32 $1.000000000e+00, v11;
	v11 =	vadd.f32 $1.000000000e+00, v14;
	v14 =	vpop (erf)  }
0x3c: {  	v23 =	vld [tilespmem:s29+$0x0];
	v15 =	vadd.s32 v0, v15;
	v14 =	vadd.f32 $1.000000000e+00, v14;
	(erf) = vrcp.f32 v9  }
0x3d: {  	v6 =	vadd.s32 v4, v6;
	vm3 =	veq.s32 v4, $0x0;
	v9 =	vld [tilespmem:s29+$0x20];
	(erf) = vrcp.f32 v11  }
0x3e: {  	v21 =	vld [tilespmem:s29+$0x30];
	v16 =	vadd.f32 $1.000000000e+00, v16;
	v5 =	vadd.s32 v15, v3;
	(erf) = vrcp.f32 v14  }
0x3f: {  	v4 =	vmul.f32 $-1.442695020e+00, v18;
	v15 =	vadd.s32 v2, v5;
	v5 =	vmul.f32 $-1.442695020e+00, v17;
	v17 =	vld [tilespmem:s29+$0x10]  }
0x40: {  	vm5 =	veq.s32 v13, $0x0;
	v22 =	vld [tilespmem:s29+$0x70];
	v20 =	vmul.f32 $-1.442695020e+00, v20;
	(erf) = vrcp.f32 v16  }
0x41: {  	v12 =	vimm.f32 $0.0e+00;
	v24 =	vmul.f32 $-1.442695020e+00, v23;
	v1 =	vpop (erf);
	(erf) = vpow2.f32 v5  }
0x42: {  	v1 =	vadd.f32 $1.000000000e+00, v1;
	v18 =	vmul.f32 $-1.442695020e+00, v9;
	(erf) = vpow2.f32 v4  }
0x43: {  	vm0 =	veq.s32 v7, $0x0;
	v11 =	vpop (erf);
	v5 =	vld [tilespmem:s29+$0xC040];
	v4 =	vmul.f32 $-1.442695020e+00, v21;
	(erf) = vrcp.f32 v19  }
0x44: {  	v6 =	vadd.s32 v10, v6;
	v14 =	vpop (erf);
	(erf) = vrcp.f32 v1;
	v1 =	vmul.f32 $-1.442695020e+00, v17  }
0x45: {  	v8 =	vld [tilespmem:s29+$0xC030];
	v6 =	vadd.s32 v7, v6;
	v19 =	vmul.f32 $-1.442695020e+00, v22;
	(erf) = vpow2.f32 v18;
	v9 =	vpop (erf)  }
0x46: {  	v7 =	vld [tilespmem:s29+$0xC060];
	v16 =	vsel vm2, $0x0, v14;
	vm2 =	veq.s32 v10, $0x0;
	(erf) = vpow2.f32 v1;
	v18 =	vpop (erf)  }
0x47: {  	v10 =	vld [tilespmem:s29+$0xC010];
	v17 =	vsel vm5, $0x0, v11;
	v13 =	vsel vm3, $0x0, v18;
	v22 =	vpop (erf);
	(erf) = vpow2.f32 v20  }
0x48: {  	v1 =	vld [tilespmem:s29+$0xC050];
	v20 =	vadd.s32 v5, v15;
	v15 =	vsel vm4, $0x0, v22;
	(erf) = vpow2.f32 v4  }
0x49: {  	s25 =	simm.s32 $0x100;
	s26 =	simm.s32 $0x400;
	v21 =	vpop (erf);
	v4 =	vld [tilespmem:s29+$0xC070];
	v22 =	vadd.f32 v22, v12;
	v23 =	vadd.f32 v15, v12;
	v15 =	vimm.f32 $0.0e+00  }
.LBB2_2:
0x4a: {  	s28 =	sshra.s32 s26, $0x2  }
0x4b: {  	p0 =	slt.u32 s25, $0x3F80;
	v20 =	vadd.s32 v7, v20;
	(erf) = vpow2.f32 v24;
	v24 =	vpop (erf);
	v12 =	vadd.f32 v21, v12;
	s29 =	smov.u32 s25;
	s25 =	sadd.s32 $0x80, s25  }
0x4c: {  	v26 =	vsel vm1, $0x0, v21;
	s30 =	sadd.s32 $0x8000, s28;
	s31 =	sadd.s32 s29, s12;
	v25 =	vpop (erf);
	v14 =	vadd.f32 v14, v22;
	v16 =	vadd.f32 v16, v23  }
0x4d: {  	v6 =	vadd.s32 v6, v10;
	v22 =	vadd.f32 $1.000000000e+00, v24;
	v15 =	vadd.f32 v26, v15;
	[tilespmem:s30], [sflag:$0x3] =	stream.linear.gather [hbm4b:s31+s4], $0x80, $0x38;
	v21 =	vpop (erf);
	[tilespmem:$0x18080] =	vst v63  }
0x4e: {  	vm1 =	veq.s32 v0, $0x0;
	s29 =	sadd.s32 s29, s13;
	s30 =	sadd.s32 $0x14000, s28;
	v23 =	vadd.f32 $1.000000000e+00, v25;
	v12 =	vadd.f32 v18, v12;
	v18 =	vpop (erf)  }
0x4f: {  	v0 =	vmovc v7;
	v6 =	vadd.s32 v8, v6;
	v16 =	vadd.f32 v17, v16;
	v17 =	vsel vm1, $0x0, v21;
	[tilespmem:s30], [sflag:$0x3] =	stream.linear.gather [hbm4b:s29+s4], $0x80, $0x38;
	[tilespmem:$0x18080] =	vst v63  }
0x50: {  	v6 =	vadd.s32 v1, v6;
	v11 =	vadd.f32 v11, v14;
	v24 =	vld [tilespmem:s28+$0xC020];
	v7 =	vpop (erf);
	(erf) = vpow2.f32 v19  }
0x51: {  	v13 =	vadd.f32 v13, v15;
	v25 =	vld [tilespmem:s28+$0xC000];
	v27 =	vadd.f32 $1.000000000e+00, v7;
	v14 =	vpop (erf);
	(erf) = vrcp.f32 v23  }
0x52: {  	v6 =	vadd.s32 v4, v6;
	v26 =	vadd.f32 v17, v16;
	v23 =	vsel vm2, $0x0, v9;
	v19 =	vld [tilespmem:s28+$0x70];
	v15 =	vpop (erf)  }
0x53: {  	v14 =	vadd.f32 $1.000000000e+00, v14;
	v16 =	vld [tilespmem:s28+$0x60];
	v15 =	vadd.f32 $1.000000000e+00, v15;
	(erf) = vrcp.f32 v27;
	v7 =	vpop (erf)  }
0x54: {  	vm1 =	veq.s32 v10, $0x0;
	v27 =	vadd.f32 v21, v11;
	v17 =	vld [tilespmem:s28+$0x40];
	v7 =	vadd.f32 $1.000000000e+00, v7;
	v10 =	vpop (erf)  }
0x55: {  	v11 =	vld [tilespmem:s28+$0x50];
	v10 =	vadd.f32 $1.000000000e+00, v10;
	(erf) = vrcp.f32 v15;
	v15 =	vsel vm0, $0x0, v18  }
0x56: {  	v20 =	vadd.s32 v20, v25;
	v21 =	vld [tilespmem:s28+$0x20];
	(erf) = vrcp.f32 v7;
	v7 =	vadd.f32 v23, v13  }
0x57: {  	v9 =	vadd.f32 v9, v12;
	v20 =	vadd.s32 v24, v20;
	v13 =	vld [tilespmem:s28+$0x30];
	(erf) = vrcp.f32 v10  }
0x58: {  	vm3 =	veq.s32 v8, $0x0;
	v23 =	vld [tilespmem:s28+$0x0];
	v10 =	vmul.f32 $-1.442695020e+00, v16;
	(erf) = vrcp.f32 v14  }
0x59: {  	vm2 =	veq.s32 v2, $0x0;
	v15 =	vadd.f32 v15, v7;
	v28 =	vld [tilespmem:s28+$0x10];
	v8 =	vmul.f32 $-1.442695020e+00, v17;
	v2 =	vpop (erf)  }
0x5a: {  	v12 =	vadd.f32 v18, v9;
	v29 =	vmul.f32 $-1.442695020e+00, v11;
	v7 =	vld [tilespmem:s28+$0xC060];
	(erf) = vpow2.f32 v10;
	v11 =	vpop (erf)  }
0x5b: {  	v18 =	vadd.f32 $1.000000000e+00, v2;
	v2 =	vmovc v24;
	v17 =	vmul.f32 $-1.442695020e+00, v21;
	v30 =	vld [tilespmem:s28+$0xC040];
	(erf) = vpow2.f32 v8  }
0x5c: {  	vm0 =	veq.s32 v4, $0x0;
	v10 =	vld [tilespmem:s28+$0xC010];
	v31 =	vmul.f32 $-1.442695020e+00, v13;
	v14 =	vpop (erf);
	(erf) = vrcp.f32 v22  }
0x5d: {  	v19 =	vmul.f32 $-1.442695020e+00, v19;
	v8 =	vld [tilespmem:s28+$0xC030];
	v16 =	vsel vm2, $0x0, v14;
	(erf) = vrcp.f32 v18  }
.Ltmp0:
0x5e: {  	v24 =	vmul.f32 $-1.442695020e+00, v23;
	vm2 =	veq.s32 v1, $0x0;
	v13 =	vmul.f32 $-1.442695020e+00, v28;
	v1 =	vld [tilespmem:s28+$0xC050];
	v9 =	vpop (erf);
	(pc) =	sbr.rel @p0 .LBB2_2-.Ltmp0, $4  }
0x5f: {  	vm4 =	veq.s32 v3, $0x0;
	vm5 =	veq.s32 v5, $0x0;
	v4 =	vld [tilespmem:s28+$0xC070];
	(erf) = vpow2.f32 v17;
	v18 =	vpop (erf)  }
0x60: {  	v17 =	vsel vm5, $0x0, v11;
	(erf) = vpow2.f32 v13;
	v13 =	vsel vm3, $0x0, v18;
	v3 =	vpop (erf)  }
0x61: {  	v20 =	vadd.s32 v30, v20;
	(erf) = vpow2.f32 v29;
	v28 =	vsel vm4, $0x0, v3;
	v21 =	vpop (erf)  }
0x62: {  	s26 =	sadd.s32 $0x200, s26;
	v5 =	vmovc v30;
	v22 =	vadd.f32 v3, v27;
	v3 =	vmovc v25;
	(erf) = vpow2.f32 v31;
	v23 =	vadd.f32 v28, v26  }
0x63: {  	(erf) = vpow2.f32 v24  }
0x64: {  	v51 =	vpop (erf)  }
0x65: {  	v25 =	vpop (erf)  }
0x66: {  	(erf) = vpow2.f32 v19;
	v26 =	vpop (erf)  }
0x67: {  	v19 =	vpop (erf)  }
0x68: {  	v27 =	vpop (erf)  }
0x69: {  	v25 =	vadd.f32 $1.000000000e+00, v25;
	v28 =	vpop (erf)  }
0x6a: {  	v27 =	vadd.f32 $1.000000000e+00, v27;
	v29 =	vpop (erf)  }
0x6b: {  	(erf) = vrcp.f32 v25;
	v52 =	vadd.f32 $1.000000000e+00, v29;
	v53 =	vpop (erf)  }
0x6c: {  	(erf) = vrcp.f32 v27;
	v54 =	vadd.f32 $1.000000000e+00, v53;
	v55 =	vpop (erf)  }
0x6d: {  	v29 =	vadd.f32 $1.000000000e+00, v55;
	(erf) = vrcp.f32 v52  }
0x6e: {  	v56 =	vadd.f32 $1.000000000e+00, v28;
	(erf) = vrcp.f32 v54  }
0x6f: {  	v24 =	vadd.f32 $1.000000000e+00, v51;
	v57 =	vpop (erf);
	(erf) = vrcp.f32 v29  }
0x70: {  	v58 =	vadd.f32 $1.000000000e+00, v57;
	(erf) = vrcp.f32 v56  }
0x71: {  	(erf) = vrcp.f32 v24  }
0x72: {  	(erf) = vrcp.f32 v58;
	_ =	sdelay $0x1  }
0x73: {  	v59 =	vpop (erf)  }
0x74: {  	v60 =	vpop (erf)  }
0x75: {  	v61 =	vpop (erf)  }
0x76: {  	v62 =	vpop (erf)  }
0x77: {  	v29 =	vpop (erf)  }
0x78: {  	v30 =	vpop (erf)  }
0x79: {  	v31 =	vpop (erf)  }
0x7a: {  	v32 =	vpop (erf)  }
0x7b: {  	_ =	swait.ge [sflag:s20], $0x4000  }
0x7c: {  	[sflag:s20] =	ssyncset.done $0x0  }
0x7d: {  	[sflag:s20] =	ssyncadd.s32 $0xFFFFC000  }
0x7e: {  	s25 =	simm.s32 $0x0;
	_ =	swait.ge [sflag:s20], $0x4000  }
0x7f: {  	s26 =	sor.u32 s11, s25;
	[sflag:s20] =	ssyncset.done $0x0  }
0x80: {  	v12 =	vadd.f32 v21, v12;
	v21 =	vsel vm1, $0x0, v21;
	v16 =	vadd.f32 v16, v23;
	s25 =	simm.s32 $0x0;
	s28 =	sadd.s32 s1, s26;
	[sflag:s20] =	ssyncadd.s32 $0xFFFFC000  }
0x81: {  	vm1 =	veq.s32 v0, $0x0;
	v6 =	vadd.s32 v6, v10;
	v15 =	vadd.f32 v21, v15;
	[tilespmem:s25], [sflag:$0x1] =	stream.linear.gather [hbm4b:s28+s4], $0x80, $0x38;
	[tilespmem:$0x18080] =	vst v63  }
0x82: {  	s31 =	simm.s32 $0xC000;
	vm3 =	veq.s32 v8, $0x0;
	v14 =	vadd.f32 v14, v22;
	s26 =	sadd.s32 s3, s26;
	v0 =	vadd.f32 v17, v16  }
0x83: {  	v12 =	vadd.f32 v18, v12;
	v13 =	vadd.f32 v13, v15;
	v15 =	vsel vm1, $0x0, v26;
	[tilespmem:s31], [sflag:$0x1] =	stream.linear.gather [hbm4b:s26+s4], $0x80, $0x38;
	[tilespmem:$0x18080] =	vst v63  }
0x84: {  	v0 =	vadd.f32 v15, v0;
	v15 =	vsel vm2, $0x0, v9;
	vm2 =	veq.s32 v10, $0x0;
	v10 =	vld [tilespmem:s25+$0x4070]  }
0x85: {  	vm4 =	veq.s32 v3, $0x0;
	vm5 =	veq.s32 v5, $0x0;
	v9 =	vadd.f32 v9, v12;
	v12 =	vld [tilespmem:s25+$0x4050]  }
0x86: {  	v6 =	vadd.s32 v8, v6;
	v11 =	vadd.f32 v11, v14;
	v13 =	vadd.f32 v15, v13  }
0x87: {  	v14 =	vadd.s32 v7, v20;
	vm1 =	veq.s32 v2, $0x0;
	v15 =	vsel vm0, $0x0, v19;
	v8 =	vld [tilespmem:s25+$0x4030]  }
0x88: {  	v11 =	vadd.f32 v26, v11;
	vm0 =	veq.s32 v4, $0x0;
	v2 =	vadd.f32 v15, v13;
	v13 =	vld [tilespmem:s25+$0x4020]  }
0x89: {  	v9 =	vadd.f32 v19, v9;
	v15 =	vsel vm1, $0x0, v60;
	v16 =	vld [tilespmem:s25+$0x4000];
	v3 =	vmul.f32 $-1.442695020e+00, v10  }
0x8a: {  	vm1 =	veq.s32 v1, $0x0;
	v18 =	vsel vm4, $0x0, v29;
	v17 =	vld [tilespmem:s25+$0x4060];
	v12 =	vmul.f32 $-1.442695020e+00, v12  }
0x8b: {  	v11 =	vadd.f32 v29, v11;
	v0 =	vadd.f32 v18, v0;
	(erf) = vpow2.f32 v3  }
0x8c: {  	v5 =	vsel vm3, $0x0, v62;
	v8 =	vmul.f32 $-1.442695020e+00, v8;
	(erf) = vpow2.f32 v12;
	v12 =	vld [tilespmem:s25+$0x4040]  }
0x8d: {  	v11 =	vadd.f32 v60, v11;
	v0 =	vadd.f32 v15, v0;
	v13 =	vmul.f32 $-1.442695020e+00, v13;
	v3 =	vld [tilespmem:s25+$0x4010]  }
0x8e: {  	v10 =	vsel vm5, $0x0, v59;
	v16 =	vmul.f32 $-1.442695020e+00, v16;
	(erf) = vpow2.f32 v8  }
0x8f: {  	v17 =	vmul.f32 $-1.442695020e+00, v17;
	v0 =	vadd.f32 v10, v0;
	(erf) = vpow2.f32 v13  }
0x90: {  	v8 =	vadd.f32 v30, v9;
	v9 =	vsel vm2, $0x0, v30;
	(erf) = vpow2.f32 v16  }
0x91: {  	vm2 =	veq.s32 v7, $0x0;
	v2 =	vadd.f32 v9, v2;
	v12 =	vmul.f32 $-1.442695020e+00, v12  }
0x92: {  	v11 =	vadd.f32 v59, v11;
	v18 =	vld [tilespmem:s25+$0x10070];
	v10 =	vsel vm2, $0x0, v31;
	v3 =	vmul.f32 $-1.442695020e+00, v3  }
0x93: {  	v15 =	vld [tilespmem:s25+$0x10000];
	v16 =	vadd.f32 v10, v0;
	(erf) = vpow2.f32 v17;
	v2 =	vadd.f32 v5, v2  }
0x94: {  	v7 =	vld [tilespmem:s25+$0x10020];
	v0 =	vsel vm0, $0x0, v32;
	(erf) = vpow2.f32 v3;
	v3 =	vsel vm1, $0x0, v61  }
0x95: {  	v13 =	vld [tilespmem:s25+$0x10050];
	v8 =	vadd.f32 v62, v8;
	(erf) = vpow2.f32 v12;
	v2 =	vadd.f32 v3, v2;
	v12 =	vpop (erf)  }
0x96: {  	s28 =	simm.s32 $0x80;
	v9 =	vld [tilespmem:s25+$0x10030];
	v17 =	vpop (erf)  }
0x97: {  	v1 =	vadd.s32 v1, v6;
	s30 =	sor.u32 s11, s28;
	v10 =	vld [tilespmem:s25+$0x10060];
	v8 =	vadd.f32 v61, v8;
	v6 =	vadd.f32 v0, v2;
	v0 =	vpop (erf)  }
0x98: {  	v1 =	vadd.s32 v4, v1;
	v19 =	vadd.f32 v31, v11;
	s26 =	simm.s32 $0x80;
	s31 =	sadd.s32 s1, s30;
	v5 =	vld [tilespmem:s25+$0x10010];
	v4 =	vpop (erf)  }
0x99: {  	v3 =	vld [tilespmem:s25+$0x10040];
	[tilespmem:s26], [sflag:$0x1] =	stream.linear.gather [hbm4b:s31+s4], $0x80, $0x38;
	v20 =	vadd.f32 v32, v8;
	v8 =	vadd.f32 $1.000000000e+00, v17;
	v11 =	vpop (erf)  }
0x9a: {  	s30 =	sadd.s32 s3, s30;
	s31 =	simm.s32 $0xC080;
	v2 =	vadd.f32 $1.000000000e+00, v0;
	v11 =	vadd.f32 $1.000000000e+00, v11  }
0x9b: {  	vm7 =	veq.s32 v15, $0x0;
	[tilespmem:s31], [sflag:$0x1] =	stream.linear.gather [hbm4b:s30+s4], $0x80, $0x38;
	[tilespmem:$0x18080] =	vst v63  }
0x9c: {  	vm0 =	veq.s32 v18, $0x0;
	(erf) = vrcp.f32 v2;
	v2 =	vadd.f32 $1.000000000e+00, v12;
	v12 =	vld [tilespmem:s26+$0x4070]  }
0x9d: {  	vm6 =	veq.s32 v7, $0x0;
	v0 =	vadd.s32 v14, v15;
	(erf) = vrcp.f32 v8;
	v8 =	vpop (erf)  }
0x9e: {  	v17 =	vld [tilespmem:s26+$0x4050];
	v14 =	vadd.s32 v7, v0;
	v21 =	vadd.f32 $1.000000000e+00, v4;
	(erf) = vrcp.f32 v11;
	v11 =	vpop (erf)  }
0x9f: {  	v23 =	vld [tilespmem:s26+$0x4030];
	v14 =	vadd.s32 v3, v14;
	(erf) = vrcp.f32 v2;
	v11 =	vadd.f32 $1.000000000e+00, v11  }
0xa0: {  	v1 =	vadd.s32 v1, v5;
	v4 =	vadd.s32 v10, v14;
	v14 =	vld [tilespmem:s26+$0x4060];
	(erf) = vrcp.f32 v21;
	v22 =	vpop (erf)  }
0xa1: {  	v21 =	vld [tilespmem:s26+$0x4000];
	v2 =	vadd.f32 $1.000000000e+00, v22;
	(erf) = vrcp.f32 v11;
	v11 =	vmul.f32 $-1.442695020e+00, v12  }
0xa2: {  	vm2 =	veq.s32 v9, $0x0;
	v1 =	vadd.s32 v9, v1;
	v8 =	vadd.f32 $1.000000000e+00, v8;
	v22 =	vld [tilespmem:s26+$0x4020]  }
0xa3: {  	v1 =	vadd.s32 v13, v1;
	v9 =	vmul.f32 $-1.442695020e+00, v17;
	(erf) = vrcp.f32 v2  }
0xa4: {  	vm1 =	veq.s32 v13, $0x0;
	v63 =	vadd.s32 v18, v1;
	v1 =	vld [tilespmem:s26+$0x10050];
	(erf) = vrcp.f32 v8  }
0xa5: {  	vm5 =	veq.s32 v5, $0x0;
	v0 =	vld [tilespmem:s26+$0x10070];
	v5 =	vmul.f32 $-1.442695020e+00, v23;
	(erf) = vpow2.f32 v11;
	v11 =	vpop (erf)  }
0xa6: {  	vm3 =	veq.s32 v10, $0x0;
	v18 =	vmul.f32 $-1.442695020e+00, v14;
	v2 =	vld [tilespmem:s26+$0x10010];
	v13 =	vmul.f32 $-1.442695020e+00, v21;
	v10 =	vpop (erf)  }
0xa7: {  	vm4 =	veq.s32 v3, $0x0;
	v8 =	vld [tilespmem:s26+$0x4010];
	v7 =	vmul.f32 $-1.442695020e+00, v22;
	(erf) = vpow2.f32 v9;
	v9 =	vpop (erf)  }
0xa8: {  	v3 =	vld [tilespmem:s26+$0x10030];
	(erf) = vpow2.f32 v5;
	v14 =	vadd.f32 v9, v19;
	v15 =	vsel vm7, $0x0, v9;
	v9 =	vpop (erf)  }
0xa9: {  	v17 =	vld [tilespmem:s26+$0x4040];
	(erf) = vpow2.f32 v7;
	v21 =	vadd.f32 v15, v16;
	v16 =	vpop (erf)  }
0xaa: {  	v12 =	vld [tilespmem:s26+$0x10000];
	(erf) = vpow2.f32 v13;
	v13 =	vsel vm6, $0x0, v16  }
0xab: {  	v5 =	vld [tilespmem:s26+$0x10020]  }
0xac: {  	v7 =	vld [tilespmem:s26+$0x10060];
	v22 =	vmul.f32 $-1.442695020e+00, v8;
	v15 =	vadd.s32 v63, v2;
	v19 =	vpop (erf)  }
0xad: {  	s29 =	simm.s32 $0x100;
	s25 =	simm.s32 $0x200;
	v8 =	vld [tilespmem:s26+$0x10040];
	v20 =	vadd.f32 v19, v20;
	v19 =	vsel vm5, $0x0, v19;
	v21 =	vadd.f32 v13, v21;
	v13 =	vpop (erf)  }
.LBB2_4:
0xae: {  	v25 =	vmul.f32 $-1.442695020e+00, v17;
	s26 =	smov.u32 s29  }
0xaf: {  	s30 =	sor.u32 s11, s29;
	s25 =	sadd.s32 $0x200, s25;
	(erf) = vpow2.f32 v18;
	v18 =	vsel vm4, $0x0, v13;
	v23 =	vpop (erf);
	v24 =	vmov v12;
	s26 =	sadd.s32 $0x80, s29  }
0xb0: {  	s28 =	sshra.s32 s25, $0x2;
	s31 =	sadd.s32 s1, s30;
	s30 =	sadd.s32 s3, s30;
	v12 =	vadd.f32 v11, v20;
	v18 =	vadd.f32 v18, v21;
	(erf) = vpow2.f32 v22  }
0xb1: {  	v4 =	vadd.s32 v4, v24;
	v20 =	vsel vm3, $0x0, v23;
	[tilespmem:s28], [sflag:$0x1] =	stream.linear.gather [hbm4b:s31+s4], $0x80, $0x38;
	(erf) = vpow2.f32 v25;
	v17 =	vpop (erf);
	[tilespmem:$0x18080] =	vst v63  }
0xb2: {  	p0 =	slt.u32 s29, $0x3F80;
	v15 =	vadd.s32 v3, v15;
	v4 =	vadd.s32 v5, v4;
	s31 =	sadd.s32 $0xC000, s28;
	v12 =	vadd.f32 v10, v12  }
0xb3: {  	v14 =	vadd.f32 v16, v14;
	v4 =	vadd.s32 v8, v4;
	v17 =	vadd.f32 $1.000000000e+00, v17;
	[tilespmem:s31], [sflag:$0x1] =	stream.linear.gather [hbm4b:s30+s4], $0x80, $0x38;
	v21 =	vpop (erf);
	[tilespmem:$0x18080] =	vst v63  }
0xb4: {  	v6 =	vadd.f32 v19, v6;
	v4 =	vadd.s32 v7, v4;
	v16 =	vld [tilespmem:s28+$0x10070];
	v21 =	vadd.f32 $1.000000000e+00, v21;
	v22 =	vpop (erf)  }
0xb5: {  	v11 =	vsel vm2, $0x0, v11;
	v26 =	vadd.f32 v9, v12;
	v19 =	vld [tilespmem:s28+$0x10050];
	v22 =	vadd.f32 $1.000000000e+00, v22;
	v25 =	vpop (erf)  }
0xb6: {  	v15 =	vadd.s32 v1, v15;
	v6 =	vadd.f32 v11, v6;
	v27 =	vld [tilespmem:s28+$0x4050];
	v12 =	vadd.f32 $1.000000000e+00, v25;
	v25 =	vpop (erf)  }
0xb7: {  	v10 =	vsel vm1, $0x0, v10;
	v11 =	vld [tilespmem:s28+$0x10030];
	v28 =	vadd.f32 $1.000000000e+00, v25;
	(erf) = vrcp.f32 v22  }
0xb8: {  	v13 =	vadd.f32 v13, v14;
	v6 =	vadd.f32 v10, v6;
	v22 =	vld [tilespmem:s28+$0x4070];
	(erf) = vrcp.f32 v21;
	v21 =	vpop (erf)  }
0xb9: {  	v20 =	vadd.f32 v20, v18;
	v9 =	vsel vm0, $0x0, v9;
	v10 =	vld [tilespmem:s28+$0x4030];
	(erf) = vrcp.f32 v28;
	v14 =	vpop (erf)  }
0xba: {  	v6 =	vadd.f32 v9, v6;
	v18 =	vld [tilespmem:s28+$0x4060];
	v14 =	vadd.f32 $1.000000000e+00, v14;
	v25 =	vpop (erf);
	(erf) = vrcp.f32 v17  }
0xbb: {  	v21 =	vadd.f32 $1.000000000e+00, v21;
	v9 =	vld [tilespmem:s28+$0x4000];
	v25 =	vadd.f32 $1.000000000e+00, v25;
	(erf) = vrcp.f32 v12  }
0xbc: {  	v15 =	vadd.s32 v0, v15;
	v13 =	vadd.f32 v23, v13;
	v17 =	vld [tilespmem:s28+$0x4040];
	(erf) = vrcp.f32 v14  }
0xbd: {  	vm0 =	veq.s32 v0, $0x0;
	v0 =	vmovc v16;
	v14 =	vld [tilespmem:s28+$0x4020];
	v22 =	vmul.f32 $-1.442695020e+00, v22;
	(erf) = vrcp.f32 v25  }
0xbe: {  	vm2 =	veq.s32 v3, $0x0;
	vm1 =	veq.s32 v1, $0x0;
	v1 =	vmovc v19;
	v3 =	vmovc v11;
	v16 =	vld [tilespmem:s28+$0x4010];
	(erf) = vrcp.f32 v21  }
0xbf: {  	vm3 =	veq.s32 v7, $0x0;
	v25 =	vmul.f32 $-1.442695020e+00, v27;
	v12 =	vld [tilespmem:s28+$0x10000];
	v18 =	vmul.f32 $-1.442695020e+00, v18  }
0xc0: {  	vm5 =	veq.s32 v2, $0x0;
	vm4 =	veq.s32 v8, $0x0;
	(erf) = vpow2.f32 v22;
	v2 =	vld [tilespmem:s28+$0x10010];
	v11 =	vpop (erf)  }
0xc1: {  	vm6 =	veq.s32 v5, $0x0;
	v21 =	vmul.f32 $-1.442695020e+00, v9;
	v22 =	vmul.f32 $-1.442695020e+00, v10;
	v5 =	vld [tilespmem:s28+$0x10020];
	v10 =	vpop (erf)  }
.Ltmp1:
0xc2: {  	vm7 =	veq.s32 v24, $0x0;
	v23 =	vmul.f32 $-1.442695020e+00, v14;
	v8 =	vld [tilespmem:s28+$0x10040];
	(erf) = vpow2.f32 v25;
	v19 =	vpop (erf);
	(pc) =	sbr.rel @p0 .LBB2_4-.Ltmp1, $4  }
0xc3: {  	v7 =	vld [tilespmem:s28+$0x10060];
	(erf) = vpow2.f32 v22;
	v14 =	vadd.f32 v19, v13;
	v13 =	vsel vm7, $0x0, v19;
	v9 =	vpop (erf)  }
0xc4: {  	v22 =	vmul.f32 $-1.442695020e+00, v16;
	(erf) = vpow2.f32 v23;
	v23 =	vadd.f32 v13, v20;
	v16 =	vpop (erf)  }
0xc5: {  	v15 =	vadd.s32 v15, v2;
	(erf) = vpow2.f32 v21;
	v21 =	vsel vm6, $0x0, v16;
	v19 =	vpop (erf)  }
0xc6: {  	s29 =	smov.u32 s26;
	v20 =	vadd.f32 v19, v26;
	v19 =	vsel vm5, $0x0, v19;
	v21 =	vadd.f32 v21, v23;
	v13 =	vpop (erf)  }
0xc7: {  	v17 =	vmul.f32 $-1.442695020e+00, v17  }
0xc8: {  	(erf) = vpow2.f32 v18  }
0xc9: {  	(erf) = vpow2.f32 v22  }
0xca: {  	v18 =	vpop (erf);
	(erf) = vpow2.f32 v17  }
0xcb: {  	v17 =	vpop (erf)  }
0xcc: {  	v51 =	vpop (erf)  }
0xcd: {  	v23 =	vpop (erf)  }
0xce: {  	v23 =	vadd.f32 $1.000000000e+00, v23;
	v24 =	vpop (erf)  }
0xcf: {  	v22 =	vadd.f32 $1.000000000e+00, v51;
	v25 =	vpop (erf)  }
0xd0: {  	v25 =	vadd.f32 $1.000000000e+00, v25;
	(erf) = vrcp.f32 v23  }
0xd1: {  	v17 =	vadd.f32 $1.000000000e+00, v17;
	v52 =	vpop (erf);
	(erf) = vrcp.f32 v22  }
0xd2: {  	v53 =	vadd.f32 $1.000000000e+00, v24;
	v54 =	vpop (erf);
	(erf) = vrcp.f32 v25  }
0xd3: {  	v24 =	vadd.f32 $1.000000000e+00, v54;
	v55 =	vpop (erf);
	(erf) = vrcp.f32 v17  }
0xd4: {  	v17 =	vadd.f32 $1.000000000e+00, v55;
	(erf) = vrcp.f32 v53  }
0xd5: {  	v22 =	vadd.f32 $1.000000000e+00, v52;
	(erf) = vrcp.f32 v24  }
0xd6: {  	(erf) = vrcp.f32 v17  }
0xd7: {  	(erf) = vrcp.f32 v22;
	_ =	sdelay $0x1  }
0xd8: {  	v17 =	vpop (erf)  }
0xd9: {  	v56 =	vpop (erf)  }
0xda: {  	v57 =	vpop (erf)  }
0xdb: {  	v58 =	vpop (erf)  }
0xdc: {  	v59 =	vpop (erf)  }
0xdd: {  	v26 =	vpop (erf)  }
0xde: {  	v27 =	vpop (erf)  }
0xdf: {  	v28 =	vpop (erf)  }
0xe0: {  	_ =	swait.ge [sflag:s21], $0x4000  }
0xe1: {  	[sflag:s21] =	ssyncset.done $0x0  }
0xe2: {  	v6 =	vadd.f32 v19, v6;
	[sflag:s21] =	ssyncadd.s32 $0xFFFFC000  }
0xe3: {  	v20 =	vadd.f32 v11, v20;
	v11 =	vsel vm2, $0x0, v11;
	_ =	swait.ge [sflag:s21], $0x4000  }
0xe4: {  	v6 =	vadd.f32 v11, v6;
	[sflag:s21] =	ssyncset.done $0x0  }
0xe5: {  	v14 =	vadd.f32 v16, v14;
	s26 =	simm.s32 $0x0;
	v11 =	vadd.f32 v10, v20;
	v10 =	vsel vm1, $0x0, v10;
	[sflag:s21] =	ssyncadd.s32 $0xFFFFC000  }
0xe6: {  	v6 =	vadd.f32 v10, v6;
	v10 =	vld [tilespmem:s26+$0x8060]  }
0xe7: {  	v19 =	vsel vm4, $0x0, v13;
	v4 =	vadd.s32 v4, v12;
	v13 =	vadd.f32 v13, v14  }
0xe8: {  	v15 =	vadd.s32 v3, v15;
	v11 =	vadd.f32 v9, v11;
	v9 =	vsel vm0, $0x0, v9;
	v16 =	vld [tilespmem:s26+$0x8040]  }
0xe9: {  	vm11 =	veq.s32 v8, $0x0;
	v6 =	vadd.f32 v9, v6;
	v9 =	vadd.f32 v18, v13;
	v13 =	vld [tilespmem:s26+$0x8050]  }
0xea: {  	vm2 =	veq.s32 v3, $0x0;
	v15 =	vadd.s32 v1, v15;
	v14 =	vsel vm3, $0x0, v18;
	v3 =	vld [tilespmem:s26+$0x8030]  }
0xeb: {  	vm3 =	veq.s32 v2, $0x0;
	vm1 =	veq.s32 v1, $0x0;
	v1 =	vld [tilespmem:s26+$0x8010];
	v2 =	vmul.f32 $-1.442695020e+00, v10  }
0xec: {  	vm5 =	veq.s32 v5, $0x0;
	vm6 =	veq.s32 v12, $0x0;
	v19 =	vadd.f32 v19, v21  }
0xed: {  	v4 =	vadd.s32 v5, v4;
	v5 =	vmul.f32 $-1.442695020e+00, v16;
	(erf) = vpow2.f32 v2;
	v2 =	vld [tilespmem:s26+$0x8000]  }
0xee: {  	v4 =	vadd.s32 v8, v4;
	v8 =	vadd.f32 v57, v9;
	v9 =	vmul.f32 $-1.442695020e+00, v13  }
0xef: {  	v14 =	vadd.f32 v14, v19;
	v3 =	vmul.f32 $-1.442695020e+00, v3;
	(erf) = vpow2.f32 v5  }
0xf0: {  	v10 =	vsel vm6, $0x0, v57;
	v1 =	vmul.f32 $-1.442695020e+00, v1;
	(erf) = vpow2.f32 v9  }
0xf1: {  	v5 =	vadd.f32 v10, v14;
	v10 =	vld [tilespmem:s26+$0x8020];
	(erf) = vpow2.f32 v3  }
0xf2: {  	v4 =	vadd.s32 v7, v4;
	v12 =	vld [tilespmem:s26+$0x8070];
	(erf) = vpow2.f32 v1;
	v2 =	vmul.f32 $-1.442695020e+00, v2  }
0xf3: {  	vm0 =	veq.s32 v0, $0x0;
	v11 =	vadd.f32 v26, v11;
	v9 =	vsel vm5, $0x0, v59  }
0xf4: {  	v3 =	vsel vm3, $0x0, v26;
	v5 =	vadd.f32 v9, v5;
	(erf) = vpow2.f32 v2  }
0xf5: {  	s25 =	simm.s32 $0x80;
	v9 =	vadd.f32 v17, v11;
	vm3 =	veq.s32 v7, $0x0;
	v1 =	vsel vm11, $0x0, v27  }
0xf6: {  	v20 =	vld [tilespmem:s25+$0x8060];
	v3 =	vadd.f32 v3, v6;
	v1 =	vadd.f32 v1, v5;
	v10 =	vmul.f32 $-1.442695020e+00, v10  }
0xf7: {  	v6 =	vsel vm2, $0x0, v17;
	v5 =	vld [tilespmem:s26+$0x14010];
	v2 =	vadd.f32 v56, v9;
	v9 =	vmul.f32 $-1.442695020e+00, v12;
	v13 =	vpop (erf)  }
0xf8: {  	v3 =	vadd.f32 v6, v3;
	v12 =	vld [tilespmem:s26+$0x14030];
	(erf) = vpow2.f32 v10;
	v10 =	vsel vm3, $0x0, v28;
	v14 =	vpop (erf)  }
0xf9: {  	v8 =	vadd.f32 v59, v8;
	v16 =	vld [tilespmem:s26+$0x14070];
	v11 =	vsel vm1, $0x0, v56;
	(erf) = vpow2.f32 v9;
	v17 =	vpop (erf)  }
0xfa: {  	v0 =	vadd.s32 v0, v15;
	v3 =	vadd.f32 v11, v3;
	v11 =	vld [tilespmem:s26+$0x14050];
	v15 =	vadd.f32 v10, v1;
	v1 =	vpop (erf)  }
0xfb: {  	v8 =	vadd.f32 v27, v8;
	v20 =	vmul.f32 $-1.442695020e+00, v20;
	v7 =	vld [tilespmem:s26+$0x14000];
	v9 =	vsel vm0, $0x0, v58;
	v10 =	vpop (erf)  }
0xfc: {  	v6 =	vld [tilespmem:s26+$0x14020];
	v3 =	vadd.f32 v9, v3;
	v0 =	vadd.s32 v0, v5;
	v10 =	vadd.f32 $1.000000000e+00, v10  }
0xfd: {  	v18 =	vld [tilespmem:s26+$0x14060];
	v9 =	vadd.f32 v28, v8;
	v13 =	vadd.f32 $1.000000000e+00, v13;
	v0 =	vadd.s32 v12, v0;
	v60 =	vpop (erf)  }
0xfe: {  	v8 =	vld [tilespmem:s26+$0x14040];
	v1 =	vadd.f32 $1.000000000e+00, v1;
	(erf) = vrcp.f32 v10;
	v10 =	vadd.f32 $1.000000000e+00, v60  }
0xff: {  	vm1 =	veq.s32 v16, $0x0;
	v19 =	vadd.s32 v11, v0;
	v0 =	vld [tilespmem:s25+$0x14010];
	(erf) = vrcp.f32 v13  }
0x100: {  	v4 =	vadd.s32 v4, v7;
	vm12 =	veq.s32 v7, $0x0;
	(erf) = vrcp.f32 v1;
	v1 =	vld [tilespmem:s25+$0x8050]  }
0x101: {  	v4 =	vadd.s32 v6, v4;
	v17 =	vadd.f32 $1.000000000e+00, v17;
	v19 =	vadd.s32 v16, v19;
	v13 =	vld [tilespmem:s25+$0x8040];
	v16 =	vpop (erf)  }
0x102: {  	v14 =	vadd.f32 $1.000000000e+00, v14;
	v16 =	vadd.f32 $1.000000000e+00, v16;
	(erf) = vrcp.f32 v10;
	v10 =	vpop (erf)  }
0x103: {  	v4 =	vadd.s32 v8, v4;
	(erf) = vrcp.f32 v17;
	v17 =	vld [tilespmem:s25+$0x8010];
	v10 =	vadd.f32 $1.000000000e+00, v10  }
0x104: {  	v61 =	vadd.s32 v18, v4;
	v4 =	vadd.s32 v19, v0;
	v19 =	vld [tilespmem:s25+$0x8030];
	(erf) = vrcp.f32 v16  }
0x105: {  	vm2 =	veq.s32 v8, $0x0;
	v8 =	vmul.f32 $-1.442695020e+00, v1;
	(erf) = vrcp.f32 v10  }
0x106: {  	vm3 =	veq.s32 v6, $0x0;
	v6 =	vld [tilespmem:s25+$0x8000];
	v7 =	vmul.f32 $-1.442695020e+00, v13;
	(erf) = vpow2.f32 v20  }
0x107: {  	v2 =	vadd.f32 v58, v2;
	v13 =	vld [tilespmem:s25+$0x8070];
	(erf) = vrcp.f32 v14  }
0x108: {  	vm14 =	veq.s32 v5, $0x0;
	v10 =	vld [tilespmem:s25+$0x8020];
	v5 =	vpop (erf);
	(erf) = vpow2.f32 v7;
	v7 =	vmul.f32 $-1.442695020e+00, v17  }
0x109: {  	vm13 =	veq.s32 v12, $0x0;
	v12 =	vmul.f32 $-1.442695020e+00, v19;
	(erf) = vpow2.f32 v8;
	v8 =	vpop (erf)  }
0x10a: {  	vm15 =	veq.s32 v11, $0x0;
	v14 =	vsel vm14, $0x0, v5;
	v11 =	vpop (erf)  }
0x10b: {  	v2 =	vadd.f32 v5, v2;
	(erf) = vpow2.f32 v12;
	v5 =	vsel vm13, $0x0, v11  }
0x10c: {  	v6 =	vmul.f32 $-1.442695020e+00, v6;
	v1 =	vld [tilespmem:s25+$0x14000];
	v12 =	vadd.f32 v14, v3;
	(erf) = vpow2.f32 v7;
	v7 =	vpop (erf)  }
0x10d: {  	vm0 =	veq.s32 v18, $0x0;
	v13 =	vmul.f32 $-1.442695020e+00, v13;
	v3 =	vld [tilespmem:s25+$0x14020];
	v14 =	vmul.f32 $-1.442695020e+00, v10;
	v17 =	vpop (erf)  }
0x10e: {  	v2 =	vadd.f32 v11, v2;
	v10 =	vadd.f32 v5, v12;
	v16 =	vsel vm12, $0x0, v7;
	v5 =	vpop (erf)  }
0x10f: {  	(erf) = vpow2.f32 v6;
	v6 =	vadd.f32 v7, v9;
	v7 =	vadd.f32 v16, v15;
	v20 =	vpop (erf)  }
0x110: {  	v16 =	vadd.f32 v17, v2;
	v2 =	vld [tilespmem:s25+$0x14050];
	(erf) = vpow2.f32 v14;
	v15 =	vsel vm3, $0x0, v5;
	v18 =	vpop (erf)  }
0x111: {  	v11 =	vadd.s32 v61, v1;
	(erf) = vpow2.f32 v13;
	v13 =	vadd.f32 v15, v7;
	v7 =	vld [tilespmem:s25+$0x14030];
	v62 =	vpop (erf)  }
0x112: {  	v9 =	vadd.s32 v3, v11;
	v14 =	vadd.f32 v5, v6;
	v5 =	vld [tilespmem:s25+$0x14040];
	v6 =	vadd.f32 v20, v16;
	v12 =	vpop (erf)  }
0x113: {  	v11 =	vld [tilespmem:s25+$0x14070];
	v16 =	vsel vm15, $0x0, v17;
	v15 =	vadd.f32 $1.000000000e+00, v18;
	v63 =	vsel vm2, $0x0, v62;
	v18 =	vpop (erf)  }
0x114: {  	s28 =	simm.s32 $0x400;
	s26 =	simm.s32 $0x80;
	v17 =	vadd.f32 v62, v14;
	v14 =	vadd.f32 v63, v13;
	v13 =	vsel vm1, $0x0, v20;
	v19 =	vpop (erf)  }
.LBB2_6:
0x115: {  	v10 =	vadd.f32 v16, v10;
	v16 =	vsel vm0, $0x0, v8  }
0x116: {  	s26 =	sadd.s32 $0x80, s26;
	v4 =	vadd.s32 v7, v4;
	v20 =	vld [tilespmem:s25+$0x14060];
	s25 =	sshra.s32 s28, $0x2;
	v21 =	vpop (erf)  }
0x117: {  	v22 =	vmovc v2;
	p0 =	slt.u32 s26, $0x3F80;
	v21 =	vadd.f32 $1.000000000e+00, v21;
	v4 =	vadd.s32 v2, v4;
	v17 =	vadd.f32 v8, v17;
	v2 =	vld [tilespmem:s25+$0x14050];
	v8 =	vmovc v0  }
0x118: {  	v18 =	vadd.f32 $1.000000000e+00, v18;
	v14 =	vadd.f32 v16, v14;
	v0 =	vld [tilespmem:s25+$0x14010];
	v4 =	vadd.s32 v11, v4;
	v16 =	vmovc v5  }
0x119: {  	v19 =	vadd.f32 $1.000000000e+00, v19;
	v10 =	vadd.f32 v13, v10;
	v5 =	vld [tilespmem:s25+$0x8060];
	v23 =	vpop (erf);
	(erf) = vrcp.f32 v21  }
0x11a: {  	v12 =	vadd.f32 $1.000000000e+00, v12;
	v13 =	vld [tilespmem:s25+$0x14000];
	v23 =	vadd.f32 $1.000000000e+00, v23;
	(erf) = vrcp.f32 v15  }
0x11b: {  	vm1 =	veq.s32 v11, $0x0;
	v9 =	vadd.s32 v16, v9;
	v15 =	vld [tilespmem:s25+$0x8040];
	v11 =	vpop (erf);
	(erf) = vrcp.f32 v19  }
0x11c: {  	v9 =	vadd.s32 v20, v9;
	v19 =	vld [tilespmem:s25+$0x8050];
	v11 =	vadd.f32 $1.000000000e+00, v11;
	(erf) = vrcp.f32 v23;
	v21 =	vpop (erf)  }
0x11d: {  	v4 =	vadd.s32 v4, v0;
	v23 =	vld [tilespmem:s25+$0x8030];
	v21 =	vadd.f32 $1.000000000e+00, v21;
	(erf) = vrcp.f32 v18  }
0x11e: {  	vm0 =	veq.s32 v20, $0x0;
	v18 =	vld [tilespmem:s25+$0x8010];
	v24 =	vmul.f32 $-1.442695020e+00, v5;
	(erf) = vrcp.f32 v11  }
0x11f: {  	vm5 =	veq.s32 v1, $0x0;
	vm3 =	veq.s32 v3, $0x0;
	v5 =	vld [tilespmem:s25+$0x14040];
	(erf) = vrcp.f32 v21;
	v1 =	vmovc v13  }
0x120: {  	vm2 =	veq.s32 v16, $0x0;
	v11 =	vld [tilespmem:s25+$0x8000];
	v3 =	vmul.f32 $-1.442695020e+00, v15;
	(erf) = vpow2.f32 v24  }
0x121: {  	vm6 =	veq.s32 v7, $0x0;
	v13 =	vld [tilespmem:s25+$0x8020];
	v15 =	vmul.f32 $-1.442695020e+00, v19;
	(erf) = vrcp.f32 v12  }
0x122: {  	vm4 =	veq.s32 v8, $0x0;
	v7 =	vmul.f32 $-1.442695020e+00, v23;
	v12 =	vld [tilespmem:s25+$0x8070];
	(erf) = vpow2.f32 v3;
	v16 =	vpop (erf)  }
0x123: {  	v18 =	vmul.f32 $-1.442695020e+00, v18;
	(erf) = vpow2.f32 v15;
	v3 =	vsel vm4, $0x0, v16;
	v8 =	vpop (erf)  }
0x124: {  	vm4 =	veq.s32 v22, $0x0;
	(erf) = vpow2.f32 v7;
	v7 =	vadd.f32 v3, v10;
	v10 =	vpop (erf)  }
0x125: {  	v6 =	vadd.f32 v16, v6;
	v3 =	vld [tilespmem:s25+$0x14020];
	(erf) = vpow2.f32 v18;
	v15 =	vsel vm6, $0x0, v10;
	v16 =	vpop (erf)  }
0x126: {  	v11 =	vmul.f32 $-1.442695020e+00, v11;
	v13 =	vmul.f32 $-1.442695020e+00, v13;
	v18 =	vsel vm5, $0x0, v16;
	v19 =	vpop (erf)  }
0x127: {  	v6 =	vadd.f32 v10, v6;
	v10 =	vadd.f32 v15, v7;
	v20 =	vmul.f32 $-1.442695020e+00, v12;
	v12 =	vpop (erf)  }
0x128: {  	v9 =	vadd.s32 v9, v1;
	(erf) = vpow2.f32 v11;
	v11 =	vadd.f32 v16, v17;
	v21 =	vpop (erf)  }
.Ltmp2:
0x129: {  	v14 =	vadd.f32 v18, v14;
	v6 =	vadd.f32 v19, v6;
	v16 =	vsel vm3, $0x0, v12;
	v7 =	vld [tilespmem:s25+$0x14030];
	v15 =	vpop (erf);
	(pc) =	sbr.rel @p0 .LBB2_6-.Ltmp2, $4  }
0x12a: {  	v9 =	vadd.s32 v3, v9;
	(erf) = vpow2.f32 v13;
	v13 =	vadd.f32 v12, v11;
	v17 =	vpop (erf)  }
0x12b: {  	v14 =	vadd.f32 v16, v14;
	v6 =	vadd.f32 v21, v6;
	v11 =	vld [tilespmem:s25+$0x14070];
	v12 =	vpop (erf);
	(erf) = vpow2.f32 v20  }
0x12c: {  	v16 =	vsel vm4, $0x0, v19;
	v15 =	vadd.f32 $1.000000000e+00, v15;
	v20 =	vsel vm2, $0x0, v17;
	v18 =	vpop (erf)  }
0x12d: {  	s28 =	sadd.s32 $0x200, s28;
	v17 =	vadd.f32 v17, v13;
	v14 =	vadd.f32 v20, v14;
	v13 =	vsel vm1, $0x0, v21;
	v19 =	vpop (erf)  }
0x12e: {  	v20 =	vpop (erf)  }
0x12f: {  	v20 =	vadd.f32 $1.000000000e+00, v20  }
0x130: {  	v19 =	vadd.f32 $1.000000000e+00, v19  }
0x131: {  	v21 =	vpop (erf);
	(erf) = vrcp.f32 v20  }
0x132: {  	v59 =	vadd.f32 $1.000000000e+00, v21;
	(erf) = vrcp.f32 v15  }
0x133: {  	v15 =	vadd.f32 $1.000000000e+00, v18;
	v18 =	vpop (erf);
	(erf) = vrcp.f32 v19  }
0x134: {  	v18 =	vadd.f32 $1.000000000e+00, v18;
	(erf) = vrcp.f32 v59;
	v19 =	vpop (erf)  }
0x135: {  	v19 =	vadd.f32 $1.000000000e+00, v19;
	(erf) = vrcp.f32 v15  }
0x136: {  	v12 =	vadd.f32 $1.000000000e+00, v12;
	(erf) = vrcp.f32 v18  }
0x137: {  	(erf) = vrcp.f32 v19  }
0x138: {  	(erf) = vrcp.f32 v12;
	_ =	sdelay $0x1  }
0x139: {  	v12 =	vpop (erf)  }
0x13a: {  	v15 =	vpop (erf)  }
0x13b: {  	v18 =	vpop (erf)  }
0x13c: {  	v19 =	vpop (erf)  }
0x13d: {  	v60 =	vpop (erf)  }
0x13e: {  	v61 =	vpop (erf)  }
0x13f: {  	v22 =	vpop (erf)  }
0x140: {  	v24 =	vpop (erf)  }
0x141: {  	v23 =	vld [tilespmem:s25+$0x14060];
	_ =	swait.ge [sflag:s19], $0x4000  }
0x142: {  	[sflag:s19] =	ssyncset.done $0x0  }
0x143: {  	[sflag:s19] =	ssyncadd.s32 $0xFFFFC000  }
0x144: {  	_ =	swait.ge [sflag:s19], $0x4000  }
0x145: {  	[sflag:s19] =	ssyncset.done $0x0  }
0x146: {  	s29 =	simm.s32 $0x40;
	[sflag:s19] =	ssyncadd.s32 $0xFFFFC000  }
0x147: {  	v25 =	vld [tilespmem:s29+$0xFFFFFFC0];
	_ =	sdelay $0x1  }
0x148: {  	v10 =	vadd.f32 v16, v10  }
0x149: {  	v4 =	vadd.s32 v7, v4  }
0x14a: {  	vm1 =	veq.s32 v0, $0x0;
	v4 =	vadd.s32 v2, v4;
	v10 =	vadd.f32 v13, v10;
	v13 =	vld [tilespmem:s29+$0x10]  }
0x14b: {  	v4 =	vadd.s32 v11, v4;
	vm13 =	veq.s32 v11, $0x0;
	v0 =	vld [tilespmem:s29+$0xFFFFFFD0];
	v11 =	vmul.f32 $-1.442695020e+00, v25  }
0x14c: {  	vm2 =	veq.s32 v7, $0x0;
	v7 =	vsel vm1, $0x0, v12;
	v6 =	vadd.f32 v12, v6;
	v12 =	vld [tilespmem:s29+$0xFFFFFFF0]  }
0x14d: {  	v9 =	vadd.s32 v5, v9;
	v7 =	vadd.f32 v7, v10;
	v10 =	vld [tilespmem:s29+$0xFFFFFFE0];
	(erf) = vpow2.f32 v11  }
0x14e: {  	vm15 =	veq.s32 v1, $0x0;
	vm4 =	veq.s32 v5, $0x0;
	vm5 =	veq.s32 v2, $0x0;
	v5 =	vld [tilespmem:s29+$0x20]  }
0x14f: {  	v16 =	vadd.f32 v8, v17;
	v8 =	vsel vm0, $0x0, v8;
	v2 =	vld [tilespmem:s29+$0x30];
	v1 =	vmul.f32 $-1.442695020e+00, v13  }
0x150: {  	v8 =	vadd.f32 v8, v14;
	v14 =	vld [tilespmem:s29+$0x0];
	v0 =	vmul.f32 $-1.442695020e+00, v0  }
0x151: {  	vm3 =	veq.s32 v3, $0x0;
	(erf) = vpow2.f32 v1  }
0x152: {  	(erf) = vpow2.f32 v0;
	v0 =	vmul.f32 $-1.442695020e+00, v10;
	v10 =	vadd.f32 v19, v16  }
0x153: {  	vm14 =	veq.s32 v23, $0x0;
	v6 =	vadd.f32 v18, v6;
	v5 =	vmul.f32 $-1.442695020e+00, v5  }
0x154: {  	v2 =	vmul.f32 $-1.442695020e+00, v2;
	v11 =	vsel vm2, $0x0, v18;
	v1 =	vmul.f32 $-1.442695020e+00, v12  }
0x155: {  	v3 =	vadd.f32 v11, v7;
	v7 =	vsel vm15, $0x0, v19;
	v11 =	vmul.f32 $-1.442695020e+00, v14  }
0x156: {  	(erf) = vpow2.f32 v1;
	v1 =	vadd.f32 v7, v8;
	v8 =	vadd.f32 v61, v10;
	v10 =	vpop (erf)  }
0x157: {  	v7 =	vsel vm3, $0x0, v61;
	(erf) = vpow2.f32 v0;
	v10 =	vadd.f32 $1.000000000e+00, v10  }
0x158: {  	s30 =	simm.s32 $0xC040;
	v0 =	vadd.f32 v60, v6;
	(erf) = vpow2.f32 v11;
	v1 =	vadd.f32 v7, v1  }
0x159: {  	v6 =	vld [tilespmem:s30+$0x20];
	(erf) = vpow2.f32 v5;
	v5 =	vsel vm4, $0x0, v24;
	v8 =	vadd.f32 v24, v8  }
0x15a: {  	v7 =	vld [tilespmem:s30+$0xFFFFFFC0];
	(erf) = vpow2.f32 v2;
	v2 =	vsel vm5, $0x0, v60;
	v1 =	vadd.f32 v5, v1  }
0x15b: {  	v11 =	vld [tilespmem:s30+$0xFFFFFFD0];
	v2 =	vadd.f32 v2, v3;
	v3 =	vsel vm14, $0x0, v15;
	(erf) = vrcp.f32 v10;
	v10 =	vpop (erf)  }
0x15c: {  	v14 =	vsel vm13, $0x0, v22;
	v5 =	vld [tilespmem:s30+$0xFFFFFFE0];
	v1 =	vadd.f32 v3, v1;
	v3 =	vadd.f32 $1.000000000e+00, v10;
	v10 =	vpop (erf)  }
0x15d: {  	v8 =	vadd.f32 v15, v8;
	v15 =	vld [tilespmem:s30+$0x0];
	v10 =	vadd.f32 $1.000000000e+00, v10  }
0x15e: {  	v9 =	vadd.s32 v23, v9;
	v12 =	vld [tilespmem:s30+$0xFFFFFFF0]  }
0x15f: {  	s31 =	simm.s32 $0xC0;
	v13 =	vld [tilespmem:s30+$0x10];
	v2 =	vadd.f32 v14, v2;
	v9 =	vadd.s32 v9, v7;
	v14 =	vpop (erf);
	(erf) = vrcp.f32 v3  }
0x160: {  	v14 =	vadd.f32 $1.000000000e+00, v14;
	v17 =	vpop (erf);
	v3 =	vadd.s32 v4, v11;
	v4 =	vld [tilespmem:s31+$0xFFFFFFC0];
	(erf) = vrcp.f32 v10  }
0x161: {  	v16 =	vld [tilespmem:s30+$0x30];
	v0 =	vadd.f32 v22, v0;
	vm8 =	veq.s32 v6, $0x0;
	v9 =	vadd.s32 v5, v9;
	v10 =	vpop (erf)  }
0x162: {  	vm9 =	veq.s32 v5, $0x0;
	v9 =	vadd.s32 v15, v9;
	(erf) = vrcp.f32 v14;
	v19 =	vpop (erf)  }
0x163: {  	v62 =	vld [tilespmem:s31+$0x10];
	v9 =	vadd.s32 v6, v9;
	v3 =	vadd.s32 v12, v3;
	v5 =	vadd.f32 $1.000000000e+00, v19;
	v6 =	vpop (erf)  }
0x164: {  	v3 =	vadd.s32 v13, v3;
	v10 =	vadd.f32 $1.000000000e+00, v10;
	v19 =	vld [tilespmem:s31+$0xFFFFFFD0];
	v6 =	vadd.f32 $1.000000000e+00, v6  }
0x165: {  	vm12 =	veq.s32 v12, $0x0;
	v4 =	vmul.f32 $-1.442695020e+00, v4;
	(erf) = vrcp.f32 v5  }
0x166: {  	vm11 =	veq.s32 v16, $0x0;
	vm14 =	veq.s32 v13, $0x0;
	v5 =	vld [tilespmem:s31+$0xFFFFFFF0];
	(erf) = vrcp.f32 v6  }
0x167: {  	v63 =	vadd.s32 v16, v3;
	v3 =	vpop (erf);
	v6 =	vld [tilespmem:s31+$0xFFFFFFE0];
	(erf) = vpow2.f32 v4;
	v4 =	vadd.f32 $1.000000000e+00, v17  }
0x168: {  	vm10 =	veq.s32 v7, $0x0;
	v16 =	vmul.f32 $-1.442695020e+00, v62;
	(erf) = vrcp.f32 v10;
	v10 =	vpop (erf)  }
0x169: {  	vm13 =	veq.s32 v11, $0x0;
	v12 =	vmul.f32 $-1.442695020e+00, v19;
	v11 =	vpop (erf);
	(erf) = vrcp.f32 v4  }
0x16a: {  	v14 =	vld [tilespmem:s31+$0x0];
	(erf) = vpow2.f32 v16;
	v0 =	vadd.f32 v11, v0;
	v4 =	vsel vm13, $0x0, v11  }
0x16b: {  	v11 =	vpop (erf);
	v5 =	vmul.f32 $-1.442695020e+00, v5;
	v16 =	vld [tilespmem:s31+$0x30];
	(erf) = vpow2.f32 v12;
	v2 =	vadd.f32 v4, v2  }
0x16c: {  	v18 =	vld [tilespmem:s31+$0x20];
	v4 =	vmul.f32 $-1.442695020e+00, v6;
	v6 =	vsel vm12, $0x0, v11;
	v0 =	vadd.f32 v11, v0  }
0x16d: {  	v7 =	vsel vm10, $0x0, v3;
	(erf) = vpow2.f32 v5;
	v2 =	vadd.f32 v6, v2  }
0x16e: {  	(erf) = vpow2.f32 v4;
	v4 =	vsel vm14, $0x0, v10;
	v0 =	vadd.f32 v10, v0;
	v19 =	vpop (erf)  }
0x16f: {  	v8 =	vadd.f32 v3, v8;
	v14 =	vmul.f32 $-1.442695020e+00, v14;
	v2 =	vadd.f32 v4, v2;
	v3 =	vpop (erf)  }
0x170: {  	v10 =	vmul.f32 $-1.442695020e+00, v16;
	v5 =	vpop (erf);
	v4 =	vadd.f32 v3, v0;
	v0 =	vsel vm11, $0x0, v3  }
0x171: {  	s25 =	simm.s32 $0xC0C0;
	v18 =	vmul.f32 $-1.442695020e+00, v18;
	v12 =	vadd.f32 $1.000000000e+00, v5  }
0x172: {  	v1 =	vadd.f32 v7, v1;
	v7 =	vld [tilespmem:s25+$0xFFFFFFF0];
	(erf) = vpow2.f32 v14  }
0x173: {  	v6 =	vld [tilespmem:s25+$0xFFFFFFC0];
	(erf) = vpow2.f32 v18;
	v3 =	vadd.f32 v0, v2;
	v0 =	vpop (erf)  }
0x174: {  	v5 =	vld [tilespmem:s25+$0xFFFFFFD0];
	(erf) = vpow2.f32 v10;
	v10 =	vpop (erf)  }
0x175: {  	vm15 =	veq.s32 v15, $0x0;
	v2 =	vld [tilespmem:s25+$0x20];
	(erf) = vrcp.f32 v12;
	v12 =	vpop (erf)  }
0x176: {  	v8 =	vadd.f32 v10, v8;
	v13 =	vsel vm9, $0x0, v10;
	v10 =	vld [tilespmem:s25+$0xFFFFFFE0];
	v18 =	vadd.f32 $1.000000000e+00, v12;
	v12 =	vpop (erf)  }
0x177: {  	v13 =	vadd.f32 v13, v1;
	v1 =	vld [tilespmem:s25+$0x10];
	v16 =	vadd.f32 $1.000000000e+00, v12;
	v12 =	vsel vm15, $0x0, v0  }
0x178: {  	v11 =	vsel vm8, $0x0, v19;
	v8 =	vadd.f32 v0, v8;
	v0 =	vld [tilespmem:s25+$0x0]  }
0x179: {  	v14 =	vadd.s32 v9, v6;
	v15 =	vadd.s32 v63, v5;
	v9 =	vpop (erf);
	v13 =	vadd.f32 v12, v13  }
0x17a: {  	s26 =	simm.s32 $0x80;
	s28 =	simm.s32 $0x140;
	v17 =	vadd.f32 $1.000000000e+00, v9;
	v9 =	vld [tilespmem:s25+$0x30];
	(erf) = vrcp.f32 v18;
	v8 =	vadd.f32 v19, v8;
	v12 =	vpop (erf)  }
.LBB2_8:
0x17b: {  	v18 =	vld [tilespmem:s28+$0xFFFFFFC0];
	s26 =	sadd.s32 $0x80, s26;
	v14 =	vadd.s32 v10, v14;
	v15 =	vadd.s32 v7, v15;
	(erf) = vrcp.f32 v16;
	v16 =	vpop (erf)  }
0x17c: {  	v11 =	vadd.f32 v11, v13;
	v19 =	vld [tilespmem:s28+$0x20];
	p0 =	slt.u32 s26, $0x3F80;
	v16 =	vadd.f32 $1.000000000e+00, v16;
	(erf) = vrcp.f32 v17  }
0x17d: {  	vm1 =	veq.s32 v2, $0x0;
	v15 =	vadd.s32 v1, v15;
	v13 =	vld [tilespmem:s28+$0x0];
	v14 =	vadd.s32 v0, v14;
	v17 =	vpop (erf)  }
0x17e: {  	vm0 =	veq.s32 v10, $0x0;
	v20 =	vld [tilespmem:s28+$0x10];
	v10 =	vadd.f32 $1.000000000e+00, v17;
	v14 =	vadd.s32 v2, v14;
	v2 =	vpop (erf)  }
0x17f: {  	vm2 =	veq.s32 v6, $0x0;
	v17 =	vld [tilespmem:s28+$0xFFFFFFD0];
	v2 =	vadd.f32 $1.000000000e+00, v2;
	v15 =	vadd.s32 v9, v15;
	v6 =	vpop (erf)  }
0x180: {  	v18 =	vmul.f32 $-1.442695020e+00, v18;
	v21 =	vld [tilespmem:s28+$0xFFFFFFE0];
	v22 =	vsel vm2, $0x0, v6;
	(erf) = vrcp.f32 v10  }
0x181: {  	vm2 =	veq.s32 v9, $0x0;
	v10 =	vld [tilespmem:s28+$0xFFFFFFF0];
	v19 =	vmul.f32 $-1.442695020e+00, v19;
	(erf) = vrcp.f32 v2  }
0x182: {  	v2 =	vadd.f32 $1.000000000e+00, v12;
	v9 =	vmul.f32 $-1.442695020e+00, v13;
	(erf) = vpow2.f32 v18  }
0x183: {  	vm3 =	veq.s32 v7, $0x0;
	v12 =	vmul.f32 $-1.442695020e+00, v20;
	(erf) = vrcp.f32 v16;
	v7 =	vpop (erf)  }
0x184: {  	vm4 =	veq.s32 v5, $0x0;
	v13 =	vmul.f32 $-1.442695020e+00, v17;
	v5 =	vpop (erf);
	(erf) = vrcp.f32 v2  }
0x185: {  	(erf) = vpow2.f32 v12;
	v2 =	vadd.f32 v5, v4;
	v4 =	vsel vm4, $0x0, v5;
	v5 =	vpop (erf)  }
0x186: {  	v10 =	vmul.f32 $-1.442695020e+00, v10;
	v12 =	vld [tilespmem:s28+$0x30];
	(erf) = vpow2.f32 v13;
	v3 =	vadd.f32 v4, v3  }
0x187: {  	v4 =	vmul.f32 $-1.442695020e+00, v21;
	v2 =	vadd.f32 v5, v2;
	v5 =	vsel vm3, $0x0, v5  }
0x188: {  	vm3 =	veq.s32 v1, $0x0;
	(erf) = vpow2.f32 v10;
	v3 =	vadd.f32 v5, v3  }
0x189: {  	s25 =	sadd.s32 $0x80, s25;
	(erf) = vpow2.f32 v4;
	v1 =	vadd.f32 v7, v2;
	v4 =	vsel vm3, $0x0, v7;
	v18 =	vpop (erf)  }
0x18a: {  	v8 =	vadd.f32 v6, v8;
	v2 =	vld [tilespmem:s25+$0x20];
	(erf) = vpow2.f32 v9;
	v3 =	vadd.f32 v4, v3;
	v5 =	vpop (erf)  }
0x18b: {  	v6 =	vld [tilespmem:s25+$0xFFFFFFC0];
	v9 =	vmul.f32 $-1.442695020e+00, v12;
	v7 =	vpop (erf);
	v4 =	vadd.f32 v5, v1;
	v10 =	vsel vm2, $0x0, v5  }
0x18c: {  	v16 =	vadd.f32 $1.000000000e+00, v7;
	v5 =	vld [tilespmem:s25+$0xFFFFFFD0];
	(erf) = vpow2.f32 v19;
	v3 =	vadd.f32 v10, v3;
	v13 =	vpop (erf)  }
0x18d: {  	v7 =	vld [tilespmem:s25+$0xFFFFFFF0];
	(erf) = vpow2.f32 v9;
	v9 =	vadd.f32 v22, v11;
	v11 =	vsel vm1, $0x0, v18;
	v1 =	vpop (erf)  }
.Ltmp3:
0x18e: {  	v10 =	vld [tilespmem:s25+$0xFFFFFFE0];
	(erf) = vrcp.f32 v16;
	v12 =	vpop (erf);
	v8 =	vadd.f32 v1, v8;
	v16 =	vsel vm0, $0x0, v1;
	(pc) =	sbr.rel @p0 .LBB2_8-.Ltmp3, $4  }
0x18f: {  	vm0 =	veq.s32 v0, $0x0;
	v1 =	vld [tilespmem:s25+$0x10];
	v19 =	vadd.f32 $1.000000000e+00, v12;
	v12 =	vpop (erf);
	v9 =	vadd.f32 v16, v9  }
0x190: {  	v20 =	vsel vm0, $0x0, v13;
	v16 =	vadd.f32 $1.000000000e+00, v12;
	v0 =	vld [tilespmem:s25+$0x0];
	v8 =	vadd.f32 v13, v8  }
0x191: {  	v14 =	vadd.s32 v14, v6;
	v15 =	vadd.s32 v15, v5;
	v17 =	vpop (erf);
	v13 =	vadd.f32 v20, v9  }
0x192: {  	s28 =	sadd.s32 $0x80, s28;
	v17 =	vadd.f32 $1.000000000e+00, v17;
	v9 =	vld [tilespmem:s25+$0x30];
	v12 =	vpop (erf);
	(erf) = vrcp.f32 v19;
	v8 =	vadd.f32 v18, v8  }
0x193: {  	_ = 	snop  }
0x194: {  	v18 =	vpop (erf)  }
0x195: {  	v19 =	vpop (erf)  }
0x196: {  	(erf) = vrcp.f32 v16;
	v40 =	vadd.f32 $1.000000000e+00, v19;
	v41 =	vpop (erf)  }
0x197: {  	(erf) = vrcp.f32 v17;
	v42 =	vadd.f32 $1.000000000e+00, v41  }
0x198: {  	v43 =	vadd.f32 $1.000000000e+00, v18;
	(erf) = vrcp.f32 v40  }
0x199: {  	v12 =	vadd.f32 $1.000000000e+00, v12;
	(erf) = vrcp.f32 v42  }
0x19a: {  	(erf) = vrcp.f32 v43  }
0x19b: {  	(erf) = vrcp.f32 v12;
	_ =	sdelay $0x1  }
0x19c: {  	v14 =	vadd.s32 v10, v14;
	v15 =	vadd.s32 v7, v15;
	v44 =	vpop (erf)  }
0x19d: {  	v11 =	vadd.f32 v11, v13;
	vm0 =	veq.s32 v2, $0x0;
	vm1 =	veq.s32 v10, $0x0;
	v45 =	vpop (erf)  }
0x19e: {  	vm2 =	veq.s32 v5, $0x0;
	vm3 =	veq.s32 v6, $0x0;
	vm12 =	veq.s32 v7, $0x0;
	v47 =	vpop (erf)  }
0x19f: {  	vm13 =	veq.s32 v1, $0x0;
	v62 =	vadd.s32 v1, v15;
	v46 =	vadd.s32 v0, v14;
	v48 =	vpop (erf)  }
0x1a0: {  	vm14 =	veq.s32 v0, $0x0;
	v63 =	vadd.s32 v2, v46;
	vm15 =	veq.s32 v9, $0x0;
	v50 =	vpop (erf)  }
0x1a1: {  	v1 =	vadd.s32 v9, v62;
	v51 =	vsel vm3, $0x0, v44;
	v4 =	vadd.f32 v47, v4;
	v52 =	vpop (erf)  }
0x1a2: {  	v53 =	vadd.f32 v44, v8;
	v55 =	vadd.f32 v51, v11;
	v49 =	vsel vm2, $0x0, v47;
	v54 =	vpop (erf)  }
0x1a3: {  	v1 =	vadd.s32 v63, v1;
	v3 =	vadd.f32 v49, v3;
	v4 =	vadd.f32 v48, v4;
	v56 =	vpop (erf)  }
0x1a4: {  	v5 =	vsel vm12, $0x0, v48;
	v7 =	vadd.f32 v56, v53;
	v11 =	vsel vm1, $0x0, v56  }
0x1a5: {  	v57 =	vsel vm13, $0x0, v45;
	v3 =	vadd.f32 v5, v3;
	v5 =	vadd.f32 v11, v55  }
0x1a6: {  	v4 =	vadd.f32 v45, v4;
	v60 =	vsel vm14, $0x0, v54;
	v59 =	vadd.f32 v54, v7  }
0x1a7: {  	v58 =	vadd.f32 v57, v3;
	v61 =	vsel vm0, $0x0, v50;
	v5 =	vadd.f32 v60, v5  }
0x1a8: {  	v4 =	vadd.f32 v52, v4;
	v6 =	vsel vm15, $0x0, v52;
	v3 =	vadd.f32 v50, v59  }
0x1a9: {  	v1 =	vcvt.s32.f32 v1;
	v0 =	vadd.f32 v6, v58;
	v5 =	vadd.f32 v61, v5  }
0x1aa: {  	v3 =	vadd.f32 v4, v3  }
0x1ab: {  	s24 =	sadd.s32 $0x1, s24;
	[tilespmem:$0x18020] =	vst v1;
	v0 =	vadd.f32 v0, v5  }
0x1ac: {  	p0 =	sne.s32 s24, s10;
	[tilespmem:$0x18000] =	vst v3  }
.Ltmp4:
0x1ad: {  	[tilespmem:$0x18010] =	vst v0;
	(pc) =	sbr.rel @p0 .LBB2_1-.Ltmp4, $4  }
0x1ae: {  	[hbm4b:s9+s4] =	stream.linear.scatter [tilespmem:s22], [sflag:$0x4], $0x80, $0x38;
	[tilespmem:$0x18080] =	vst v63  }
0x1af: {  	_ =	swait.ge [sflag:s23], $0x80  }
0x1b0: {  	[sflag:s23] =	ssyncset.done $0x0  }
0x1b1: {  	[sflag:s23] =	ssyncadd.s32 $0xFFFFFF80  }
0x1b2: {  	_ =	sfence.sel $0x180000  }
0x1b3: {  	[bflag:$0x0] =	sbarrier.arrive $0xFFFF  }
0x1b4: {  	p0 =	sne.s32 s2, $0x0;
	_ =	strace $0x90000047  }
0x1b5: {  	s0 =	sadd.s32 @!p0 $0x100000, s0;
	[bflag:$0x2] =	sbarrier.arrive $0xFFFF  }
0x1b6: {  	[sflag:s0] =	ssyncadd.tile.s32 @!p0 $0x1;
	_ =	shalt  }
.Lfunc_end2:
_tile_overlayer_lowered:
.L_overlay_start_2:
0x1b7: {  	(tag) =	ssettag $0x2  }
0x1b8: {  	s0 =	rddreg [dreg:$0x0];
	s2 =	stileid.u32  }
0x1b9: {  	s1 =	rddreg [dreg:$0x1];
	p0 =	sne.s32 s2, $0x0  }
0x1ba: {  	s3 =	rddreg [dreg:$0x2];
	[bflag:$0x3] =	sbarrier.arrive $0xFFFF;
	s2 =	simm.s32 @!p0 $0x1C04  }
0x1bb: {  	[timem:s3], [sflag:s2] =	dma.local @!p0 [hbm:s0], s1  }
0x1bc: {  	s0 =	simm.s32 @!p0 $0x4  }
0x1bd: {  	_ =	swait.ge @!p0 [sflag:s0], s1  }
0x1be: {  	s1 =	ssub.s32 @!p0 $0x0, s1;
	[sflag:s0] =	ssyncset.done @!p0 $0x0  }
0x1bf: {  	[sflag:s0] =	ssyncadd.s32 @!p0 s1  }
0x1c0: {  	[bflag:$0x3] =	sbarrier.arrive $0xFFFF  }
0x1c1: {  	_ =	shalt  }

</sc_bundles>
